<compile_context>
chip_gen: v7x
topology: tpu7x:2x2x1
jax: 0.10.2.dev20260603
libtpu: 0.0.44.dev20260713+nightly
codegen_flags: <defaults>
</compile_context>

<pallas_src>
import functools

import jax
import jax.numpy as jnp
from jax import lax
from jax.experimental import pallas as pl
from jax.experimental.pallas import tpu as pltpu
from jax.experimental.pallas import tpu_sc as plsc

_N = 20000
_NS = 16
_CPT = 1280
_NP = _NS * _CPT
_B = 256
_NB = _NP // _B
_BPT = _CPT // _B
_BV = _B // 16
_VB = _CPT // 16
_THR = 0.7
_EPS = 1e-9

_mesh = plsc.VectorSubcoreMesh(
    core_axis_name="c", subcore_axis_name="s", num_cores=1)


def _iou_hit(bx1, by1, bx2, by2, bar, x1, y1, x2, y2, ar):
    xx1 = jnp.maximum(bx1, x1)
    yy1 = jnp.maximum(by1, y1)
    xx2 = jnp.minimum(bx2, x2)
    yy2 = jnp.minimum(by2, y2)
    w = jnp.maximum(xx2 - xx1, 0.0)
    h = jnp.maximum(yy2 - yy1, 0.0)
    inter = w * h
    u = bar + ar - inter + _EPS
    return inter > _THR * u


def _nms_body(x1h, y1h, x2h, y2h, arh, flh, outh,
              cx1, cy1, cx2, cy2, car, cfl, kbuf, rbuf, kcnt, kshared):
    wid = lax.axis_index("s")
    base = wid * _CPT
    iota16 = lax.broadcasted_iota(jnp.int32, (16,), 0)

    pltpu.sync_copy(x1h.at[pl.ds(base, _CPT)], cx1)
    pltpu.sync_copy(y1h.at[pl.ds(base, _CPT)], cy1)
    pltpu.sync_copy(x2h.at[pl.ds(base, _CPT)], cx2)
    pltpu.sync_copy(y2h.at[pl.ds(base, _CPT)], cy2)
    pltpu.sync_copy(arh.at[pl.ds(base, _CPT)], car)
    pltpu.sync_copy(flh.at[pl.ds(base, _CPT)], cfl)

    def _bcast2(ref, r, cvec):
        return plsc.load_gather(ref, [cvec + (r * _B)])

    def _apply(bb):
        pltpu.sync_copy(kshared.at[lax.rem(bb, 2)], rbuf)
        zv = jnp.zeros((16,), jnp.int32)
        kcount = _bcast2(rbuf, 5, zv)[0].astype(jnp.int32)
        lstart = (bb + 1) * _B - base
        lv = jnp.clip(lstart // 16, 0, _VB)

        def body_k(k, _):
            kv = jnp.full((16,), k, jnp.int32)
            bx1 = _bcast2(rbuf, 0, kv)
            by1 = _bcast2(rbuf, 1, kv)
            bx2 = _bcast2(rbuf, 2, kv)
            by2 = _bcast2(rbuf, 3, kv)
            bar = _bcast2(rbuf, 4, kv)

            def body_v(v, _2):
                oc = pl.multiple_of(v * 16, 16)
                sl = pl.ds(oc, 16)
                hit = _iou_hit(bx1, by1, bx2, by2, bar,
                               cx1[sl], cy1[sl], cx2[sl], cy2[sl], car[sl])
                cfl[sl] = cfl[sl] | hit.astype(jnp.int32)
                return 0

            lax.fori_loop(lv, _VB, body_v, 0)
            return 0

        lax.fori_loop(0, kcount, body_k, 0)

    def _resolve(b):
        o = lax.rem(b, _BPT) * _B
        kcnt[0] = 0

        lane0 = iota16 == 0

        def body_i(i, _):
            li = o + i
            liv = jnp.full((16,), li, jnp.int32)
            fv = plsc.load_gather(cfl, [liv])

            @pl.when(fv[0] == 0)
            def _kept():
                bx1 = plsc.load_gather(cx1, [liv])
                by1 = plsc.load_gather(cy1, [liv])
                bx2 = plsc.load_gather(cx2, [liv])
                by2 = plsc.load_gather(cy2, [liv])
                bar = plsc.load_gather(car, [liv])
                kc = kcnt[0]
                kcv = jnp.full((16,), kc, jnp.int32)
                for r, val in ((0, bx1), (1, by1), (2, bx2), (3, by2),
                               (4, bar)):
                    plsc.store_scatter(kbuf, [kcv + (r * _B)], val,
                                       mask=lane0)
                kcnt[0] = kc + 1

                def body_vv(vv, _2):
                    oc = pl.multiple_of(o + vv * 16, 16)
                    sl = pl.ds(oc, 16)
                    hit = _iou_hit(bx1, by1, bx2, by2, bar,
                                   cx1[sl], cy1[sl], cx2[sl], cy2[sl],
                                   car[sl])
                    hit = jnp.logical_and(hit, (oc + iota16) > li)
                    cfl[sl] = cfl[sl] | hit.astype(jnp.int32)
                    return 0

                lax.fori_loop(i // 16, _BV, body_vv, 0)

            return 0

        lax.fori_loop(0, _B, body_i, 0)
        cntv = jnp.full((16,), kcnt[0].astype(jnp.float32))
        plsc.store_scatter(kbuf, [jnp.full((16,), 5 * _B, jnp.int32)],
                           cntv, mask=lane0)
        pltpu.sync_copy(kbuf, kshared.at[lax.rem(b, 2)])

    def body_b(b, _):
        @pl.when(b > 0)
        def _():
            _apply(b - 1)

        @pl.when(wid == b // _BPT)
        def _():
            _resolve(b)

        plsc.subcore_barrier()
        return 0

    lax.fori_loop(0, _NB, body_b, 0)
    pltpu.sync_copy(cfl, outh.at[pl.ds(base, _CPT)])


_nms_call = functools.partial(
    pl.kernel,
    out_type=jax.ShapeDtypeStruct((_NP,), jnp.int32),
    mesh=_mesh,
    compiler_params=pltpu.CompilerParams(needs_layout_passes=False),
    scratch_types=[
        pltpu.VMEM((_CPT,), jnp.float32),
        pltpu.VMEM((_CPT,), jnp.float32),
        pltpu.VMEM((_CPT,), jnp.float32),
        pltpu.VMEM((_CPT,), jnp.float32),
        pltpu.VMEM((_CPT,), jnp.float32),
        pltpu.VMEM((_CPT,), jnp.int32),
        pltpu.VMEM((6 * _B,), jnp.float32),
        pltpu.VMEM((6 * _B,), jnp.float32),
        pltpu.SMEM((1,), jnp.int32),
        pltpu.VMEM_SHARED((2, 6 * _B), jnp.float32),
    ],
)(_nms_body)


@jax.jit
def kernel(boxes, scores):
    order = jnp.argsort(-scores)
    bs = boxes[order]
    x1 = bs[:, 0]
    y1 = bs[:, 1]
    x2 = bs[:, 2]
    y2 = bs[:, 3]
    ar = (x2 - x1) * (y2 - y1)
    npad = _NP - _N
    zpad = jnp.zeros((npad,), jnp.float32)
    opad = jnp.ones((npad,), jnp.float32)
    x1p = jnp.concatenate([x1, zpad])
    y1p = jnp.concatenate([y1, zpad])
    x2p = jnp.concatenate([x2, opad])
    y2p = jnp.concatenate([y2, opad])
    arp = jnp.concatenate([ar, opad])
    flg0 = jnp.concatenate(
        [jnp.zeros((_N,), jnp.int32), jnp.ones((npad,), jnp.int32)])
    outflg = _nms_call(x1p, y1p, x2p, y2p, arp, flg0)
    keep_sorted = outflg[:_N] == 0
    keep = jnp.zeros((_N,), jnp.bool_).at[order].set(keep_sorted)
    return scores * keep.astype(scores.dtype)

# --- scband reference (transcript-rebuilt; emitter-appended) ---
"""Pipeline reference for scband-faster-rcnn-24970939859182 (READ-ONLY COPY).

The authoritative reference and input builder live on the scoring server;
editing this copy changes nothing except your own understanding.
"""

import jax, jax.numpy as jnp
import numpy as np

N = 20000
IOU_THRESHOLD = 0.7


def _nms_keep(boxes, scores, iou_threshold):
    # Greedy NMS identical in semantics to torchvision.ops.nms:
    # process boxes in descending score order; a box is kept if it is not
    # suppressed by any previously kept box with IoU > threshold.
    order = jnp.argsort(-scores)
    b = boxes[order]
    x1, y1, x2, y2 = b[:, 0], b[:, 1], b[:, 2], b[:, 3]
    areas = (x2 - x1) * (y2 - y1)
    n = b.shape[0]

    def body(i, state):
        suppressed, keep = state
        is_keep = jnp.logical_not(suppressed[i])
        xx1 = jnp.maximum(x1[i], x1)
        yy1 = jnp.maximum(y1[i], y1)
        xx2 = jnp.minimum(x2[i], x2)
        yy2 = jnp.minimum(y2[i], y2)
        inter = jnp.maximum(xx2 - xx1, 0.0) * jnp.maximum(yy2 - yy1, 0.0)
        iou = inter / (areas[i] + areas - inter + 1e-9)
        newly = jnp.logical_and(is_keep, iou > iou_threshold)
        newly = newly.at[i].set(False)
        suppressed = jnp.logical_or(suppressed, newly)
        keep = keep.at[i].set(is_keep)
        return suppressed, keep

    suppressed0 = jnp.zeros((n,), dtype=bool)
    keep0 = jnp.zeros((n,), dtype=bool)
    _, keep_sorted = jax.lax.fori_loop(0, n, body, (suppressed0, keep0))
    # scatter keep flags back to the original (unsorted) box order
    keep = jnp.zeros((n,), dtype=bool).at[order].set(keep_sorted)
    return keep


def setup_inputs(seed: int = 0):
    key = jax.random.key(seed)
    kb, ks = jax.random.split(key)
    # fill=rand per input_specs, then reorder coords so boxes are valid (x1<x2, y1<y2)
    raw = jax.random.uniform(kb, (N, 4), dtype=jnp.float32) * 512.0
    x1 = jnp.minimum(raw[:, 0], raw[:, 2])
    x2 = jnp.maximum(raw[:, 0], raw[:, 2]) + 1.0
    y1 = jnp.minimum(raw[:, 1], raw[:, 3])
    y2 = jnp.maximum(raw[:, 1], raw[:, 3]) + 1.0
    boxes = jnp.stack([x1, y1, x2, y2], axis=1)
    scores = jax.random.uniform(ks, (N,), dtype=jnp.float32)
    return {"boxes": boxes, "scores": scores}


def reference(boxes, scores):
    keep = _nms_keep(jax.lax.stop_gradient(boxes), jax.lax.stop_gradient(scores), IOU_THRESHOLD)
    # return scores masked by the NMS keep decision (original order);
    # nonzero entries are the surviving proposals (equivalent info to nms indices)
    return scores * keep.astype(scores.dtype)

if __name__ == "__main__":
    import jax
    _d = setup_inputs()
    print(jax.jit(kernel)(*tuple(_d.values())))

</pallas_src>

<mosaic_0001>
#map = affine_map<(d0, d1) -> (0)>
module attributes {stable_mosaic.version = 14 : i64} {
  func.func @_nms_body(%arg0: i32, %arg1: i32, %arg2: memref<20480xf32, #tpu.memory_space<hbm>>, %arg3: memref<20480xf32, #tpu.memory_space<hbm>>, %arg4: memref<20480xf32, #tpu.memory_space<hbm>>, %arg5: memref<20480xf32, #tpu.memory_space<hbm>>, %arg6: memref<20480xf32, #tpu.memory_space<hbm>>, %arg7: memref<20480xi32, #tpu.memory_space<hbm>>, %arg8: memref<20480xi32, #tpu.memory_space<hbm>>, %arg9: memref<1280xf32, #tpu.memory_space<vmem>>, %arg10: memref<1280xf32, #tpu.memory_space<vmem>>, %arg11: memref<1280xf32, #tpu.memory_space<vmem>>, %arg12: memref<1280xf32, #tpu.memory_space<vmem>>, %arg13: memref<1280xf32, #tpu.memory_space<vmem>>, %arg14: memref<1280xi32, #tpu.memory_space<vmem>>, %arg15: memref<1536xf32, #tpu.memory_space<vmem>>, %arg16: memref<1536xf32, #tpu.memory_space<vmem>>, %arg17: memref<1xi32, #tpu.memory_space<smem>>, %arg18: memref<2x1536xf32, #tpu.memory_space<vmem_shared>>) attributes {dimension_semantics = [#tpu.dimension_semantics<core_parallel>, #tpu.dimension_semantics<subcore_parallel>], iteration_bounds = array<i64: 1, 16>, scalar_prefetch = 0 : i64, scratch_operands = 10 : i64, tpu.core_type = #tpu.core_type<sc_vector_subcore>, window_params = [{transform_indices = #map}, {transform_indices = #map}, {transform_indices = #map}, {transform_indices = #map}, {transform_indices = #map}, {transform_indices = #map}, {transform_indices = #map}]} {
    %mul3A = arith.constant 1280 : i32
    %mul3A_0 = arith.muli %arg1, %mul3A : i32
    %iota3A = tpu.iota {dimensions = array<i32: 0>} : vector<16xi32>
    "tpu.region"() ({
      %run_scoped3A = tpu.sem_alloc : memref<!tpu.dma_semaphore, #tpu.memory_space<semaphore_mem>>
      %dma_start3A = tpu.memref_slice %arg2[%mul3A_0] : memref<20480xf32, #tpu.memory_space<hbm>> -> memref<1280xf32, #tpu.memory_space<hbm>>
      %dma_start3A_7 = tpu.memref_slice %arg2[%mul3A_0] : memref<20480xf32, #tpu.memory_space<hbm>> -> memref<1280xf32, #tpu.memory_space<hbm>>
      tpu.enqueue_dma source(%dma_start3A_7 : memref<1280xf32, #tpu.memory_space<hbm>>) target(%arg9 : memref<1280xf32, #tpu.memory_space<vmem>>) target_semaphore(%run_scoped3A : memref<!tpu.dma_semaphore, #tpu.memory_space<semaphore_mem>>)
      %dma_wait3A = tpu.memref_slice %arg2[%mul3A_0] : memref<20480xf32, #tpu.memory_space<hbm>> -> memref<1280xf32, #tpu.memory_space<hbm>>
      %dma_wait3A_8 = tpu.memref_slice %arg2[%mul3A_0] : memref<20480xf32, #tpu.memory_space<hbm>> -> memref<1280xf32, #tpu.memory_space<hbm>>
      tpu.wait_dma2 semaphore(%run_scoped3A : memref<!tpu.dma_semaphore, #tpu.memory_space<semaphore_mem>>) src(%dma_wait3A_8 : memref<1280xf32, #tpu.memory_space<hbm>>) dst(%arg9 : memref<1280xf32, #tpu.memory_space<vmem>>)
      tpu.yield
    }) : () -> ()
    "tpu.region"() ({
      %run_scoped3A = tpu.sem_alloc : memref<!tpu.dma_semaphore, #tpu.memory_space<semaphore_mem>>
      %dma_start3A = tpu.memref_slice %arg3[%mul3A_0] : memref<20480xf32, #tpu.memory_space<hbm>> -> memref<1280xf32, #tpu.memory_space<hbm>>
      %dma_start3A_7 = tpu.memref_slice %arg3[%mul3A_0] : memref<20480xf32, #tpu.memory_space<hbm>> -> memref<1280xf32, #tpu.memory_space<hbm>>
      tpu.enqueue_dma source(%dma_start3A_7 : memref<1280xf32, #tpu.memory_space<hbm>>) target(%arg10 : memref<1280xf32, #tpu.memory_space<vmem>>) target_semaphore(%run_scoped3A : memref<!tpu.dma_semaphore, #tpu.memory_space<semaphore_mem>>)
      %dma_wait3A = tpu.memref_slice %arg3[%mul3A_0] : memref<20480xf32, #tpu.memory_space<hbm>> -> memref<1280xf32, #tpu.memory_space<hbm>>
      %dma_wait3A_8 = tpu.memref_slice %arg3[%mul3A_0] : memref<20480xf32, #tpu.memory_space<hbm>> -> memref<1280xf32, #tpu.memory_space<hbm>>
      tpu.wait_dma2 semaphore(%run_scoped3A : memref<!tpu.dma_semaphore, #tpu.memory_space<semaphore_mem>>) src(%dma_wait3A_8 : memref<1280xf32, #tpu.memory_space<hbm>>) dst(%arg10 : memref<1280xf32, #tpu.memory_space<vmem>>)
      tpu.yield
    }) : () -> ()
    "tpu.region"() ({
      %run_scoped3A = tpu.sem_alloc : memref<!tpu.dma_semaphore, #tpu.memory_space<semaphore_mem>>
      %dma_start3A = tpu.memref_slice %arg4[%mul3A_0] : memref<20480xf32, #tpu.memory_space<hbm>> -> memref<1280xf32, #tpu.memory_space<hbm>>
      %dma_start3A_7 = tpu.memref_slice %arg4[%mul3A_0] : memref<20480xf32, #tpu.memory_space<hbm>> -> memref<1280xf32, #tpu.memory_space<hbm>>
      tpu.enqueue_dma source(%dma_start3A_7 : memref<1280xf32, #tpu.memory_space<hbm>>) target(%arg11 : memref<1280xf32, #tpu.memory_space<vmem>>) target_semaphore(%run_scoped3A : memref<!tpu.dma_semaphore, #tpu.memory_space<semaphore_mem>>)
      %dma_wait3A = tpu.memref_slice %arg4[%mul3A_0] : memref<20480xf32, #tpu.memory_space<hbm>> -> memref<1280xf32, #tpu.memory_space<hbm>>
      %dma_wait3A_8 = tpu.memref_slice %arg4[%mul3A_0] : memref<20480xf32, #tpu.memory_space<hbm>> -> memref<1280xf32, #tpu.memory_space<hbm>>
      tpu.wait_dma2 semaphore(%run_scoped3A : memref<!tpu.dma_semaphore, #tpu.memory_space<semaphore_mem>>) src(%dma_wait3A_8 : memref<1280xf32, #tpu.memory_space<hbm>>) dst(%arg11 : memref<1280xf32, #tpu.memory_space<vmem>>)
      tpu.yield
    }) : () -> ()
    "tpu.region"() ({
      %run_scoped3A = tpu.sem_alloc : memref<!tpu.dma_semaphore, #tpu.memory_space<semaphore_mem>>
      %dma_start3A = tpu.memref_slice %arg5[%mul3A_0] : memref<20480xf32, #tpu.memory_space<hbm>> -> memref<1280xf32, #tpu.memory_space<hbm>>
      %dma_start3A_7 = tpu.memref_slice %arg5[%mul3A_0] : memref<20480xf32, #tpu.memory_space<hbm>> -> memref<1280xf32, #tpu.memory_space<hbm>>
      tpu.enqueue_dma source(%dma_start3A_7 : memref<1280xf32, #tpu.memory_space<hbm>>) target(%arg12 : memref<1280xf32, #tpu.memory_space<vmem>>) target_semaphore(%run_scoped3A : memref<!tpu.dma_semaphore, #tpu.memory_space<semaphore_mem>>)
      %dma_wait3A = tpu.memref_slice %arg5[%mul3A_0] : memref<20480xf32, #tpu.memory_space<hbm>> -> memref<1280xf32, #tpu.memory_space<hbm>>
      %dma_wait3A_8 = tpu.memref_slice %arg5[%mul3A_0] : memref<20480xf32, #tpu.memory_space<hbm>> -> memref<1280xf32, #tpu.memory_space<hbm>>
      tpu.wait_dma2 semaphore(%run_scoped3A : memref<!tpu.dma_semaphore, #tpu.memory_space<semaphore_mem>>) src(%dma_wait3A_8 : memref<1280xf32, #tpu.memory_space<hbm>>) dst(%arg12 : memref<1280xf32, #tpu.memory_space<vmem>>)
      tpu.yield
    }) : () -> ()
    "tpu.region"() ({
      %run_scoped3A = tpu.sem_alloc : memref<!tpu.dma_semaphore, #tpu.memory_space<semaphore_mem>>
      %dma_start3A = tpu.memref_slice %arg6[%mul3A_0] : memref<20480xf32, #tpu.memory_space<hbm>> -> memref<1280xf32, #tpu.memory_space<hbm>>
      %dma_start3A_7 = tpu.memref_slice %arg6[%mul3A_0] : memref<20480xf32, #tpu.memory_space<hbm>> -> memref<1280xf32, #tpu.memory_space<hbm>>
      tpu.enqueue_dma source(%dma_start3A_7 : memref<1280xf32, #tpu.memory_space<hbm>>) target(%arg13 : memref<1280xf32, #tpu.memory_space<vmem>>) target_semaphore(%run_scoped3A : memref<!tpu.dma_semaphore, #tpu.memory_space<semaphore_mem>>)
      %dma_wait3A = tpu.memref_slice %arg6[%mul3A_0] : memref<20480xf32, #tpu.memory_space<hbm>> -> memref<1280xf32, #tpu.memory_space<hbm>>
      %dma_wait3A_8 = tpu.memref_slice %arg6[%mul3A_0] : memref<20480xf32, #tpu.memory_space<hbm>> -> memref<1280xf32, #tpu.memory_space<hbm>>
      tpu.wait_dma2 semaphore(%run_scoped3A : memref<!tpu.dma_semaphore, #tpu.memory_space<semaphore_mem>>) src(%dma_wait3A_8 : memref<1280xf32, #tpu.memory_space<hbm>>) dst(%arg13 : memref<1280xf32, #tpu.memory_space<vmem>>)
      tpu.yield
    }) : () -> ()
    "tpu.region"() ({
      %run_scoped3A = tpu.sem_alloc : memref<!tpu.dma_semaphore, #tpu.memory_space<semaphore_mem>>
      %dma_start3A = tpu.memref_slice %arg7[%mul3A_0] : memref<20480xi32, #tpu.memory_space<hbm>> -> memref<1280xi32, #tpu.memory_space<hbm>>
      %dma_start3A_7 = tpu.memref_slice %arg7[%mul3A_0] : memref<20480xi32, #tpu.memory_space<hbm>> -> memref<1280xi32, #tpu.memory_space<hbm>>
      tpu.enqueue_dma source(%dma_start3A_7 : memref<1280xi32, #tpu.memory_space<hbm>>) target(%arg14 : memref<1280xi32, #tpu.memory_space<vmem>>) target_semaphore(%run_scoped3A : memref<!tpu.dma_semaphore, #tpu.memory_space<semaphore_mem>>)
      %dma_wait3A = tpu.memref_slice %arg7[%mul3A_0] : memref<20480xi32, #tpu.memory_space<hbm>> -> memref<1280xi32, #tpu.memory_space<hbm>>
      %dma_wait3A_8 = tpu.memref_slice %arg7[%mul3A_0] : memref<20480xi32, #tpu.memory_space<hbm>> -> memref<1280xi32, #tpu.memory_space<hbm>>
      tpu.wait_dma2 semaphore(%run_scoped3A : memref<!tpu.dma_semaphore, #tpu.memory_space<semaphore_mem>>) src(%dma_wait3A_8 : memref<1280xi32, #tpu.memory_space<hbm>>) dst(%arg14 : memref<1280xi32, #tpu.memory_space<vmem>>)
      tpu.yield
    }) : () -> ()
    %scan3A = arith.constant 0 : i32
    %scan3A_1 = arith.constant 0 : i32
    %scan3A_2 = arith.constant 80 : i32
    %scan3A_3 = arith.addi %scan3A_1, %scan3A_2 : i32
    %scan3A_4 = arith.constant 1 : i32
    %scan3A_5 = scf.for %scan3A_7 = %scan3A_1 to %scan3A_3 step %scan3A_4 iter_args(%scan3A_8 = %scan3A) -> (i32)  : i32 {
      %gt3A = arith.constant 0 : i32
      %gt3A_9 = arith.cmpi sgt, %scan3A_7, %gt3A : i32
      %convert_element_type3A = arith.extui %gt3A_9 : i1 to i32
      %cond3A = arith.constant 0 : i32
      %cond3A_10 = arith.cmpi ne, %convert_element_type3A, %cond3A : i32
      scf.if %cond3A_10 {
        %sub3A_31 = arith.constant 1 : i32
        %sub3A_32 = arith.subi %scan3A_7, %sub3A_31 : i32
        %rem3A_33 = arith.constant 2 : i32
        %rem3A_34 = arith.remsi %sub3A_32, %rem3A_33 : i32
        "tpu.region"() ({
          %run_scoped3A = tpu.sem_alloc : memref<!tpu.dma_semaphore, #tpu.memory_space<semaphore_mem>>
          %dma_start3A = arith.constant 0 : i32
          %dma_start3A_81 = tpu.memref_slice %arg18[%rem3A_34, %dma_start3A] : memref<2x1536xf32, #tpu.memory_space<vmem_shared>> -> memref<1x1536xf32, #tpu.memory_space<vmem_shared>>
          %dma_start3A_82 = tpu.memref_squeeze %dma_start3A_81 : memref<1x1536xf32, #tpu.memory_space<vmem_shared>> -> memref<1536xf32, #tpu.memory_space<vmem_shared>>
          %dma_start3A_83 = arith.constant 0 : i32
          %dma_start3A_84 = tpu.memref_slice %arg18[%rem3A_34, %dma_start3A_83] : memref<2x1536xf32, #tpu.memory_space<vmem_shared>> -> memref<1x1536xf32, #tpu.memory_space<vmem_shared>>
          %dma_start3A_85 = tpu.memref_squeeze %dma_start3A_84 : memref<1x1536xf32, #tpu.memory_space<vmem_shared>> -> memref<1536xf32, #tpu.memory_space<vmem_shared>>
          tpu.enqueue_dma source(%dma_start3A_85 : memref<1536xf32, #tpu.memory_space<vmem_shared>>) target(%arg16 : memref<1536xf32, #tpu.memory_space<vmem>>) target_semaphore(%run_scoped3A : memref<!tpu.dma_semaphore, #tpu.memory_space<semaphore_mem>>)
          %dma_wait3A = arith.constant 0 : i32
          %dma_wait3A_86 = tpu.memref_slice %arg18[%rem3A_34, %dma_wait3A] : memref<2x1536xf32, #tpu.memory_space<vmem_shared>> -> memref<1x1536xf32, #tpu.memory_space<vmem_shared>>
          %dma_wait3A_87 = tpu.memref_squeeze %dma_wait3A_86 : memref<1x1536xf32, #tpu.memory_space<vmem_shared>> -> memref<1536xf32, #tpu.memory_space<vmem_shared>>
          %dma_wait3A_88 = arith.constant 0 : i32
          %dma_wait3A_89 = tpu.memref_slice %arg18[%rem3A_34, %dma_wait3A_88] : memref<2x1536xf32, #tpu.memory_space<vmem_shared>> -> memref<1x1536xf32, #tpu.memory_space<vmem_shared>>
          %dma_wait3A_90 = tpu.memref_squeeze %dma_wait3A_89 : memref<1x1536xf32, #tpu.memory_space<vmem_shared>> -> memref<1536xf32, #tpu.memory_space<vmem_shared>>
          tpu.wait_dma2 semaphore(%run_scoped3A : memref<!tpu.dma_semaphore, #tpu.memory_space<semaphore_mem>>) src(%dma_wait3A_90 : memref<1536xf32, #tpu.memory_space<vmem_shared>>) dst(%arg16 : memref<1536xf32, #tpu.memory_space<vmem>>)
          tpu.yield
        }) : () -> ()
        %broadcast_in_dim3A = arith.constant 0 : i32
        %broadcast_in_dim3A_35 = vector.broadcast %broadcast_in_dim3A : i32 to vector<16xi32>
        %add3A = arith.constant 1280 : i32
        %add3A_36 = vector.broadcast %add3A : i32 to vector<16xi32>
        %add3A_37 = arith.addi %broadcast_in_dim3A_35, %add3A_36 : vector<16xi32>
        %gather3A = tpu.vector_load_idx %arg16[%add3A_37] : memref<1536xf32, #tpu.memory_space<vmem>>[vector<16xi32>], vector<16xf32>,
        %slice3A = vector.extract_strided_slice %gather3A {offsets = [0], sizes = [1], strides = [1]} : vector<16xf32> to vector<1xf32>
        %squeeze3A = vector.extract %slice3A[0] : f32 from vector<1xf32>
        %convert_element_type3A_38 = arith.fptosi %squeeze3A : f32 to i32
        %add3A_39 = arith.constant 1 : i32
        %add3A_40 = arith.addi %sub3A_32, %add3A_39 : i32
        %mul3A_41 = arith.constant 256 : i32
        %mul3A_42 = arith.muli %add3A_40, %mul3A_41 : i32
        %sub3A_43 = arith.subi %mul3A_42, %mul3A_0 : i32
        %jit3A_44 = arith.constant 16 : i32
        %div3A_45 = arith.divsi %sub3A_43, %jit3A_44 : i32
        %sign3A_46 = arith.constant 0 : i32
        %sign3A_47 = arith.cmpi sgt, %sub3A_43, %sign3A_46 : i32
        %sign3A_48 = arith.extui %sign3A_47 : i1 to i32
        %sign3A_49 = arith.constant 0 : i32
        %sign3A_50 = arith.cmpi slt, %sub3A_43, %sign3A_49 : i32
        %sign3A_51 = arith.extui %sign3A_50 : i1 to i32
        %sign3A_52 = arith.subi %sign3A_48, %sign3A_51 : i32
        %sign3A_53 = arith.constant 0 : i32
        %sign3A_54 = arith.cmpi sgt, %jit3A_44, %sign3A_53 : i32
        %sign3A_55 = arith.extui %sign3A_54 : i1 to i32
        %sign3A_56 = arith.constant 0 : i32
        %sign3A_57 = arith.cmpi slt, %jit3A_44, %sign3A_56 : i32
        %sign3A_58 = arith.extui %sign3A_57 : i1 to i32
        %sign3A_59 = arith.subi %sign3A_55, %sign3A_58 : i32
        %ne3A_60 = arith.cmpi ne, %sign3A_52, %sign3A_59 : i32
        %rem3A_61 = arith.remsi %sub3A_43, %jit3A_44 : i32
        %ne3A_62 = arith.constant 0 : i32
        %ne3A_63 = arith.cmpi ne, %rem3A_61, %ne3A_62 : i32
        %and3A_64 = arith.andi %ne3A_60, %ne3A_63 : i1
        %sub3A_65 = arith.constant 1 : i32
        %sub3A_66 = arith.subi %div3A_45, %sub3A_65 : i32
        %select_n3A_67 = arith.select %and3A_64, %sub3A_66, %div3A_45 : i32
        %jit3A_68 = arith.constant 0 : i32
        %jit3A_69 = arith.constant 80 : i32
        %max3A = arith.maxsi %jit3A_68, %select_n3A_67 : i32
        %min3A = arith.minsi %jit3A_69, %max3A : i32
        %while3A = arith.constant 0 : i32
        %while3A_70 = arith.constant 0 : i32
        %while3A_71 = arith.subi %convert_element_type3A_38, %while3A : i32
        %while3A_72 = arith.addi %while3A, %while3A_71 : i32
        %while3A_73 = arith.constant 1 : i32
        %while3A_74 = arith.divsi %while3A_71, %while3A_73 : i32
        %while3A_75 = arith.muli %while3A_74, %while3A_73 : i32
        %while3A_76 = arith.addi %while3A, %while3A_75 : i32
        %while3A_77 = arith.constant 1 : i32
        %while3A_78 = scf.for %while3A_81 = %while3A to %while3A_76 step %while3A_77 iter_args(%while3A_82 = %while3A_70) -> (i32)  : i32 {
          %broadcast_in_dim3A_83 = vector.broadcast %while3A_81 : i32 to vector<16xi32>
          %add3A_84 = arith.constant 0 : i32
          %add3A_85 = vector.broadcast %add3A_84 : i32 to vector<16xi32>
          %add3A_86 = arith.addi %broadcast_in_dim3A_83, %add3A_85 : vector<16xi32>
          %gather3A_87 = tpu.vector_load_idx %arg16[%add3A_86] : memref<1536xf32, #tpu.memory_space<vmem>>[vector<16xi32>], vector<16xf32>,
          %add3A_88 = arith.constant 256 : i32
          %add3A_89 = vector.broadcast %add3A_88 : i32 to vector<16xi32>
          %add3A_90 = arith.addi %broadcast_in_dim3A_83, %add3A_89 : vector<16xi32>
          %gather3A_91 = tpu.vector_load_idx %arg16[%add3A_90] : memref<1536xf32, #tpu.memory_space<vmem>>[vector<16xi32>], vector<16xf32>,
          %add3A_92 = arith.constant 512 : i32
          %add3A_93 = vector.broadcast %add3A_92 : i32 to vector<16xi32>
          %add3A_94 = arith.addi %broadcast_in_dim3A_83, %add3A_93 : vector<16xi32>
          %gather3A_95 = tpu.vector_load_idx %arg16[%add3A_94] : memref<1536xf32, #tpu.memory_space<vmem>>[vector<16xi32>], vector<16xf32>,
          %add3A_96 = arith.constant 768 : i32
          %add3A_97 = vector.broadcast %add3A_96 : i32 to vector<16xi32>
          %add3A_98 = arith.addi %broadcast_in_dim3A_83, %add3A_97 : vector<16xi32>
          %gather3A_99 = tpu.vector_load_idx %arg16[%add3A_98] : memref<1536xf32, #tpu.memory_space<vmem>>[vector<16xi32>], vector<16xf32>,
          %add3A_100 = arith.constant 1024 : i32
          %add3A_101 = vector.broadcast %add3A_100 : i32 to vector<16xi32>
          %add3A_102 = arith.addi %broadcast_in_dim3A_83, %add3A_101 : vector<16xi32>
          %gather3A_103 = tpu.vector_load_idx %arg16[%add3A_102] : memref<1536xf32, #tpu.memory_space<vmem>>[vector<16xi32>], vector<16xf32>,
          %while3A_104 = arith.constant 80 : i32
          %while3A_105 = arith.constant 0 : i32
          %while3A_106 = arith.subi %while3A_104, %min3A : i32
          %while3A_107 = arith.addi %min3A, %while3A_106 : i32
          %while3A_108 = arith.constant 1 : i32
          %while3A_109 = arith.divsi %while3A_106, %while3A_108 : i32
          %while3A_110 = arith.muli %while3A_109, %while3A_108 : i32
          %while3A_111 = arith.addi %min3A, %while3A_110 : i32
          %while3A_112 = arith.constant 1 : i32
          %while3A_113 = scf.for %while3A_117 = %min3A to %while3A_111 step %while3A_112 iter_args(%while3A_118 = %while3A_105) -> (i32)  : i32 {
            %mul3A_119 = arith.constant 16 : i32
            %mul3A_120 = arith.muli %while3A_117, %mul3A_119 : i32
            %multiple_of3A = tpu.assume_multiple %mul3A_120, 16 : i32
            %get3A = arith.index_cast %multiple_of3A : i32 to index
            %get3A_121 = tpu.vector_load %arg9[%get3A] {strides = array<i32>} : memref<1280xf32, #tpu.memory_space<vmem>>, vector<16xf32>,
            %get3A_122 = arith.index_cast %multiple_of3A : i32 to index
            %get3A_123 = tpu.vector_load %arg10[%get3A_122] {strides = array<i32>} : memref<1280xf32, #tpu.memory_space<vmem>>, vector<16xf32>,
            %get3A_124 = arith.index_cast %multiple_of3A : i32 to index
            %get3A_125 = tpu.vector_load %arg11[%get3A_124] {strides = array<i32>} : memref<1280xf32, #tpu.memory_space<vmem>>, vector<16xf32>,
            %get3A_126 = arith.index_cast %multiple_of3A : i32 to index
            %get3A_127 = tpu.vector_load %arg12[%get3A_126] {strides = array<i32>} : memref<1280xf32, #tpu.memory_space<vmem>>, vector<16xf32>,
            %get3A_128 = arith.index_cast %multiple_of3A : i32 to index
            %get3A_129 = tpu.vector_load %arg13[%get3A_128] {strides = array<i32>} : memref<1280xf32, #tpu.memory_space<vmem>>, vector<16xf32>,
            %max3A_130 = arith.maximumf %gather3A_87, %get3A_121 : vector<16xf32>
            %max3A_131 = arith.maximumf %gather3A_91, %get3A_123 : vector<16xf32>
            %min3A_132 = arith.minimumf %gather3A_95, %get3A_125 : vector<16xf32>
            %min3A_133 = arith.minimumf %gather3A_99, %get3A_127 : vector<16xf32>
            %sub3A_134 = arith.subf %min3A_132, %max3A_130 : vector<16xf32>
            %max3A_135 = arith.constant 0.000000e+00 : f32
            %max3A_136 = vector.broadcast %max3A_135 : f32 to vector<16xf32>
            %max3A_137 = arith.maximumf %sub3A_134, %max3A_136 : vector<16xf32>
            %sub3A_138 = arith.subf %min3A_133, %max3A_131 : vector<16xf32>
            %max3A_139 = arith.constant 0.000000e+00 : f32
            %max3A_140 = vector.broadcast %max3A_139 : f32 to vector<16xf32>
            %max3A_141 = arith.maximumf %sub3A_138, %max3A_140 : vector<16xf32>
            %mul3A_142 = arith.mulf %max3A_137, %max3A_141 : vector<16xf32>
            %add3A_143 = arith.addf %gather3A_103, %get3A_129 : vector<16xf32>
            %sub3A_144 = arith.subf %add3A_143, %mul3A_142 : vector<16xf32>
            %add3A_145 = arith.constant 9.99999971E-10 : f32
            %add3A_146 = vector.broadcast %add3A_145 : f32 to vector<16xf32>
            %add3A_147 = arith.addf %sub3A_144, %add3A_146 : vector<16xf32>
            %mul3A_148 = arith.constant 0.699999988 : f32
            %mul3A_149 = vector.broadcast %mul3A_148 : f32 to vector<16xf32>
            %mul3A_150 = arith.mulf %mul3A_149, %add3A_147 : vector<16xf32>
            %gt3A_151 = arith.cmpf ogt, %mul3A_142, %mul3A_150 : vector<16xf32>
            %get3A_152 = arith.index_cast %multiple_of3A : i32 to index
            %get3A_153 = tpu.vector_load %arg14[%get3A_152] {strides = array<i32>} : memref<1280xi32, #tpu.memory_space<vmem>>, vector<16xi32>,
            %convert_element_type3A_154 = arith.extui %gt3A_151 : vector<16xi1> to vector<16xi32>
            %or3A = arith.ori %get3A_153, %convert_element_type3A_154 : vector<16xi32>
            %swap3A = arith.index_cast %multiple_of3A : i32 to index
            %swap3A_155 = tpu.vector_load %arg14[%swap3A] {strides = array<i32>} : memref<1280xi32, #tpu.memory_space<vmem>>, vector<16xi32>,
            tpu.vector_store %arg14[%swap3A], %or3A {strides = array<i32>} : memref<1280xi32, #tpu.memory_space<vmem>>, vector<16xi32>,
            %while3A_156 = arith.constant 0 : i32
            scf.yield %while3A_156 : i32
          }
          %while3A_114 = arith.constant 1 : i32
          %while3A_115 = scf.for %while3A_117 = %while3A_111 to %while3A_107 step %while3A_114 iter_args(%while3A_118 = %while3A_113) -> (i32)  : i32 {
            %mul3A_119 = arith.constant 16 : i32
            %mul3A_120 = arith.muli %while3A_117, %mul3A_119 : i32
            %multiple_of3A = tpu.assume_multiple %mul3A_120, 16 : i32
            %get3A = arith.index_cast %multiple_of3A : i32 to index
            %get3A_121 = tpu.vector_load %arg9[%get3A] {strides = array<i32>} : memref<1280xf32, #tpu.memory_space<vmem>>, vector<16xf32>,
            %get3A_122 = arith.index_cast %multiple_of3A : i32 to index
            %get3A_123 = tpu.vector_load %arg10[%get3A_122] {strides = array<i32>} : memref<1280xf32, #tpu.memory_space<vmem>>, vector<16xf32>,
            %get3A_124 = arith.index_cast %multiple_of3A : i32 to index
            %get3A_125 = tpu.vector_load %arg11[%get3A_124] {strides = array<i32>} : memref<1280xf32, #tpu.memory_space<vmem>>, vector<16xf32>,
            %get3A_126 = arith.index_cast %multiple_of3A : i32 to index
            %get3A_127 = tpu.vector_load %arg12[%get3A_126] {strides = array<i32>} : memref<1280xf32, #tpu.memory_space<vmem>>, vector<16xf32>,
            %get3A_128 = arith.index_cast %multiple_of3A : i32 to index
            %get3A_129 = tpu.vector_load %arg13[%get3A_128] {strides = array<i32>} : memref<1280xf32, #tpu.memory_space<vmem>>, vector<16xf32>,
            %max3A_130 = arith.maximumf %gather3A_87, %get3A_121 : vector<16xf32>
            %max3A_131 = arith.maximumf %gather3A_91, %get3A_123 : vector<16xf32>
            %min3A_132 = arith.minimumf %gather3A_95, %get3A_125 : vector<16xf32>
            %min3A_133 = arith.minimumf %gather3A_99, %get3A_127 : vector<16xf32>
            %sub3A_134 = arith.subf %min3A_132, %max3A_130 : vector<16xf32>
            %max3A_135 = arith.constant 0.000000e+00 : f32
            %max3A_136 = vector.broadcast %max3A_135 : f32 to vector<16xf32>
            %max3A_137 = arith.maximumf %sub3A_134, %max3A_136 : vector<16xf32>
            %sub3A_138 = arith.subf %min3A_133, %max3A_131 : vector<16xf32>
            %max3A_139 = arith.constant 0.000000e+00 : f32
            %max3A_140 = vector.broadcast %max3A_139 : f32 to vector<16xf32>
            %max3A_141 = arith.maximumf %sub3A_138, %max3A_140 : vector<16xf32>
            %mul3A_142 = arith.mulf %max3A_137, %max3A_141 : vector<16xf32>
            %add3A_143 = arith.addf %gather3A_103, %get3A_129 : vector<16xf32>
            %sub3A_144 = arith.subf %add3A_143, %mul3A_142 : vector<16xf32>
            %add3A_145 = arith.constant 9.99999971E-10 : f32
            %add3A_146 = vector.broadcast %add3A_145 : f32 to vector<16xf32>
            %add3A_147 = arith.addf %sub3A_144, %add3A_146 : vector<16xf32>
            %mul3A_148 = arith.constant 0.699999988 : f32
            %mul3A_149 = vector.broadcast %mul3A_148 : f32 to vector<16xf32>
            %mul3A_150 = arith.mulf %mul3A_149, %add3A_147 : vector<16xf32>
            %gt3A_151 = arith.cmpf ogt, %mul3A_142, %mul3A_150 : vector<16xf32>
            %get3A_152 = arith.index_cast %multiple_of3A : i32 to index
            %get3A_153 = tpu.vector_load %arg14[%get3A_152] {strides = array<i32>} : memref<1280xi32, #tpu.memory_space<vmem>>, vector<16xi32>,
            %convert_element_type3A_154 = arith.extui %gt3A_151 : vector<16xi1> to vector<16xi32>
            %or3A = arith.ori %get3A_153, %convert_element_type3A_154 : vector<16xi32>
            %swap3A = arith.index_cast %multiple_of3A : i32 to index
            %swap3A_155 = tpu.vector_load %arg14[%swap3A] {strides = array<i32>} : memref<1280xi32, #tpu.memory_space<vmem>>, vector<16xi32>,
            tpu.vector_store %arg14[%swap3A], %or3A {strides = array<i32>} : memref<1280xi32, #tpu.memory_space<vmem>>, vector<16xi32>,
            %while3A_156 = arith.constant 0 : i32
            scf.yield %while3A_156 : i32
          }
          %while3A_116 = arith.constant 0 : i32
          scf.yield %while3A_116 : i32
        }
        %while3A_79 = arith.constant 1 : i32
        %while3A_80 = scf.for %while3A_81 = %while3A_76 to %while3A_72 step %while3A_79 iter_args(%while3A_82 = %while3A_78) -> (i32)  : i32 {
          %broadcast_in_dim3A_83 = vector.broadcast %while3A_81 : i32 to vector<16xi32>
          %add3A_84 = arith.constant 0 : i32
          %add3A_85 = vector.broadcast %add3A_84 : i32 to vector<16xi32>
          %add3A_86 = arith.addi %broadcast_in_dim3A_83, %add3A_85 : vector<16xi32>
          %gather3A_87 = tpu.vector_load_idx %arg16[%add3A_86] : memref<1536xf32, #tpu.memory_space<vmem>>[vector<16xi32>], vector<16xf32>,
          %add3A_88 = arith.constant 256 : i32
          %add3A_89 = vector.broadcast %add3A_88 : i32 to vector<16xi32>
          %add3A_90 = arith.addi %broadcast_in_dim3A_83, %add3A_89 : vector<16xi32>
          %gather3A_91 = tpu.vector_load_idx %arg16[%add3A_90] : memref<1536xf32, #tpu.memory_space<vmem>>[vector<16xi32>], vector<16xf32>,
          %add3A_92 = arith.constant 512 : i32
          %add3A_93 = vector.broadcast %add3A_92 : i32 to vector<16xi32>
          %add3A_94 = arith.addi %broadcast_in_dim3A_83, %add3A_93 : vector<16xi32>
          %gather3A_95 = tpu.vector_load_idx %arg16[%add3A_94] : memref<1536xf32, #tpu.memory_space<vmem>>[vector<16xi32>], vector<16xf32>,
          %add3A_96 = arith.constant 768 : i32
          %add3A_97 = vector.broadcast %add3A_96 : i32 to vector<16xi32>
          %add3A_98 = arith.addi %broadcast_in_dim3A_83, %add3A_97 : vector<16xi32>
          %gather3A_99 = tpu.vector_load_idx %arg16[%add3A_98] : memref<1536xf32, #tpu.memory_space<vmem>>[vector<16xi32>], vector<16xf32>,
          %add3A_100 = arith.constant 1024 : i32
          %add3A_101 = vector.broadcast %add3A_100 : i32 to vector<16xi32>
          %add3A_102 = arith.addi %broadcast_in_dim3A_83, %add3A_101 : vector<16xi32>
          %gather3A_103 = tpu.vector_load_idx %arg16[%add3A_102] : memref<1536xf32, #tpu.memory_space<vmem>>[vector<16xi32>], vector<16xf32>,
          %while3A_104 = arith.constant 80 : i32
          %while3A_105 = arith.constant 0 : i32
          %while3A_106 = arith.subi %while3A_104, %min3A : i32
          %while3A_107 = arith.addi %min3A, %while3A_106 : i32
          %while3A_108 = arith.constant 1 : i32
          %while3A_109 = arith.divsi %while3A_106, %while3A_108 : i32
          %while3A_110 = arith.muli %while3A_109, %while3A_108 : i32
          %while3A_111 = arith.addi %min3A, %while3A_110 : i32
          %while3A_112 = arith.constant 1 : i32
          %while3A_113 = scf.for %while3A_117 = %min3A to %while3A_111 step %while3A_112 iter_args(%while3A_118 = %while3A_105) -> (i32)  : i32 {
            %mul3A_119 = arith.constant 16 : i32
            %mul3A_120 = arith.muli %while3A_117, %mul3A_119 : i32
            %multiple_of3A = tpu.assume_multiple %mul3A_120, 16 : i32
            %get3A = arith.index_cast %multiple_of3A : i32 to index
            %get3A_121 = tpu.vector_load %arg9[%get3A] {strides = array<i32>} : memref<1280xf32, #tpu.memory_space<vmem>>, vector<16xf32>,
            %get3A_122 = arith.index_cast %multiple_of3A : i32 to index
            %get3A_123 = tpu.vector_load %arg10[%get3A_122] {strides = array<i32>} : memref<1280xf32, #tpu.memory_space<vmem>>, vector<16xf32>,
            %get3A_124 = arith.index_cast %multiple_of3A : i32 to index
            %get3A_125 = tpu.vector_load %arg11[%get3A_124] {strides = array<i32>} : memref<1280xf32, #tpu.memory_space<vmem>>, vector<16xf32>,
            %get3A_126 = arith.index_cast %multiple_of3A : i32 to index
            %get3A_127 = tpu.vector_load %arg12[%get3A_126] {strides = array<i32>} : memref<1280xf32, #tpu.memory_space<vmem>>, vector<16xf32>,
            %get3A_128 = arith.index_cast %multiple_of3A : i32 to index
            %get3A_129 = tpu.vector_load %arg13[%get3A_128] {strides = array<i32>} : memref<1280xf32, #tpu.memory_space<vmem>>, vector<16xf32>,
            %max3A_130 = arith.maximumf %gather3A_87, %get3A_121 : vector<16xf32>
            %max3A_131 = arith.maximumf %gather3A_91, %get3A_123 : vector<16xf32>
            %min3A_132 = arith.minimumf %gather3A_95, %get3A_125 : vector<16xf32>
            %min3A_133 = arith.minimumf %gather3A_99, %get3A_127 : vector<16xf32>
            %sub3A_134 = arith.subf %min3A_132, %max3A_130 : vector<16xf32>
            %max3A_135 = arith.constant 0.000000e+00 : f32
            %max3A_136 = vector.broadcast %max3A_135 : f32 to vector<16xf32>
            %max3A_137 = arith.maximumf %sub3A_134, %max3A_136 : vector<16xf32>
            %sub3A_138 = arith.subf %min3A_133, %max3A_131 : vector<16xf32>
            %max3A_139 = arith.constant 0.000000e+00 : f32
            %max3A_140 = vector.broadcast %max3A_139 : f32 to vector<16xf32>
            %max3A_141 = arith.maximumf %sub3A_138, %max3A_140 : vector<16xf32>
            %mul3A_142 = arith.mulf %max3A_137, %max3A_141 : vector<16xf32>
            %add3A_143 = arith.addf %gather3A_103, %get3A_129 : vector<16xf32>
            %sub3A_144 = arith.subf %add3A_143, %mul3A_142 : vector<16xf32>
            %add3A_145 = arith.constant 9.99999971E-10 : f32
            %add3A_146 = vector.broadcast %add3A_145 : f32 to vector<16xf32>
            %add3A_147 = arith.addf %sub3A_144, %add3A_146 : vector<16xf32>
            %mul3A_148 = arith.constant 0.699999988 : f32
            %mul3A_149 = vector.broadcast %mul3A_148 : f32 to vector<16xf32>
            %mul3A_150 = arith.mulf %mul3A_149, %add3A_147 : vector<16xf32>
            %gt3A_151 = arith.cmpf ogt, %mul3A_142, %mul3A_150 : vector<16xf32>
            %get3A_152 = arith.index_cast %multiple_of3A : i32 to index
            %get3A_153 = tpu.vector_load %arg14[%get3A_152] {strides = array<i32>} : memref<1280xi32, #tpu.memory_space<vmem>>, vector<16xi32>,
            %convert_element_type3A_154 = arith.extui %gt3A_151 : vector<16xi1> to vector<16xi32>
            %or3A = arith.ori %get3A_153, %convert_element_type3A_154 : vector<16xi32>
            %swap3A = arith.index_cast %multiple_of3A : i32 to index
            %swap3A_155 = tpu.vector_load %arg14[%swap3A] {strides = array<i32>} : memref<1280xi32, #tpu.memory_space<vmem>>, vector<16xi32>,
            tpu.vector_store %arg14[%swap3A], %or3A {strides = array<i32>} : memref<1280xi32, #tpu.memory_space<vmem>>, vector<16xi32>,
            %while3A_156 = arith.constant 0 : i32
            scf.yield %while3A_156 : i32
          }
          %while3A_114 = arith.constant 1 : i32
          %while3A_115 = scf.for %while3A_117 = %while3A_111 to %while3A_107 step %while3A_114 iter_args(%while3A_118 = %while3A_113) -> (i32)  : i32 {
            %mul3A_119 = arith.constant 16 : i32
            %mul3A_120 = arith.muli %while3A_117, %mul3A_119 : i32
            %multiple_of3A = tpu.assume_multiple %mul3A_120, 16 : i32
            %get3A = arith.index_cast %multiple_of3A : i32 to index
            %get3A_121 = tpu.vector_load %arg9[%get3A] {strides = array<i32>} : memref<1280xf32, #tpu.memory_space<vmem>>, vector<16xf32>,
            %get3A_122 = arith.index_cast %multiple_of3A : i32 to index
            %get3A_123 = tpu.vector_load %arg10[%get3A_122] {strides = array<i32>} : memref<1280xf32, #tpu.memory_space<vmem>>, vector<16xf32>,
            %get3A_124 = arith.index_cast %multiple_of3A : i32 to index
            %get3A_125 = tpu.vector_load %arg11[%get3A_124] {strides = array<i32>} : memref<1280xf32, #tpu.memory_space<vmem>>, vector<16xf32>,
            %get3A_126 = arith.index_cast %multiple_of3A : i32 to index
            %get3A_127 = tpu.vector_load %arg12[%get3A_126] {strides = array<i32>} : memref<1280xf32, #tpu.memory_space<vmem>>, vector<16xf32>,
            %get3A_128 = arith.index_cast %multiple_of3A : i32 to index
            %get3A_129 = tpu.vector_load %arg13[%get3A_128] {strides = array<i32>} : memref<1280xf32, #tpu.memory_space<vmem>>, vector<16xf32>,
            %max3A_130 = arith.maximumf %gather3A_87, %get3A_121 : vector<16xf32>
            %max3A_131 = arith.maximumf %gather3A_91, %get3A_123 : vector<16xf32>
            %min3A_132 = arith.minimumf %gather3A_95, %get3A_125 : vector<16xf32>
            %min3A_133 = arith.minimumf %gather3A_99, %get3A_127 : vector<16xf32>
            %sub3A_134 = arith.subf %min3A_132, %max3A_130 : vector<16xf32>
            %max3A_135 = arith.constant 0.000000e+00 : f32
            %max3A_136 = vector.broadcast %max3A_135 : f32 to vector<16xf32>
            %max3A_137 = arith.maximumf %sub3A_134, %max3A_136 : vector<16xf32>
            %sub3A_138 = arith.subf %min3A_133, %max3A_131 : vector<16xf32>
            %max3A_139 = arith.constant 0.000000e+00 : f32
            %max3A_140 = vector.broadcast %max3A_139 : f32 to vector<16xf32>
            %max3A_141 = arith.maximumf %sub3A_138, %max3A_140 : vector<16xf32>
            %mul3A_142 = arith.mulf %max3A_137, %max3A_141 : vector<16xf32>
            %add3A_143 = arith.addf %gather3A_103, %get3A_129 : vector<16xf32>
            %sub3A_144 = arith.subf %add3A_143, %mul3A_142 : vector<16xf32>
            %add3A_145 = arith.constant 9.99999971E-10 : f32
            %add3A_146 = vector.broadcast %add3A_145 : f32 to vector<16xf32>
            %add3A_147 = arith.addf %sub3A_144, %add3A_146 : vector<16xf32>
            %mul3A_148 = arith.constant 0.699999988 : f32
            %mul3A_149 = vector.broadcast %mul3A_148 : f32 to vector<16xf32>
            %mul3A_150 = arith.mulf %mul3A_149, %add3A_147 : vector<16xf32>
            %gt3A_151 = arith.cmpf ogt, %mul3A_142, %mul3A_150 : vector<16xf32>
            %get3A_152 = arith.index_cast %multiple_of3A : i32 to index
            %get3A_153 = tpu.vector_load %arg14[%get3A_152] {strides = array<i32>} : memref<1280xi32, #tpu.memory_space<vmem>>, vector<16xi32>,
            %convert_element_type3A_154 = arith.extui %gt3A_151 : vector<16xi1> to vector<16xi32>
            %or3A = arith.ori %get3A_153, %convert_element_type3A_154 : vector<16xi32>
            %swap3A = arith.index_cast %multiple_of3A : i32 to index
            %swap3A_155 = tpu.vector_load %arg14[%swap3A] {strides = array<i32>} : memref<1280xi32, #tpu.memory_space<vmem>>, vector<16xi32>,
            tpu.vector_store %arg14[%swap3A], %or3A {strides = array<i32>} : memref<1280xi32, #tpu.memory_space<vmem>>, vector<16xi32>,
            %while3A_156 = arith.constant 0 : i32
            scf.yield %while3A_156 : i32
          }
          %while3A_116 = arith.constant 0 : i32
          scf.yield %while3A_116 : i32
        }
      } else {
      }
      %jit3A = arith.constant 5 : i32
      %div3A = arith.divsi %scan3A_7, %jit3A : i32
      %sign3A = arith.constant 0 : i32
      %sign3A_11 = arith.cmpi sgt, %scan3A_7, %sign3A : i32
      %sign3A_12 = arith.extui %sign3A_11 : i1 to i32
      %sign3A_13 = arith.constant 0 : i32
      %sign3A_14 = arith.cmpi slt, %scan3A_7, %sign3A_13 : i32
      %sign3A_15 = arith.extui %sign3A_14 : i1 to i32
      %sign3A_16 = arith.subi %sign3A_12, %sign3A_15 : i32
      %sign3A_17 = arith.constant 0 : i32
      %sign3A_18 = arith.cmpi sgt, %jit3A, %sign3A_17 : i32
      %sign3A_19 = arith.extui %sign3A_18 : i1 to i32
      %sign3A_20 = arith.constant 0 : i32
      %sign3A_21 = arith.cmpi slt, %jit3A, %sign3A_20 : i32
      %sign3A_22 = arith.extui %sign3A_21 : i1 to i32
      %sign3A_23 = arith.subi %sign3A_19, %sign3A_22 : i32
      %ne3A = arith.cmpi ne, %sign3A_16, %sign3A_23 : i32
      %rem3A = arith.remsi %scan3A_7, %jit3A : i32
      %ne3A_24 = arith.constant 0 : i32
      %ne3A_25 = arith.cmpi ne, %rem3A, %ne3A_24 : i32
      %and3A = arith.andi %ne3A, %ne3A_25 : i1
      %sub3A = arith.constant 1 : i32
      %sub3A_26 = arith.subi %div3A, %sub3A : i32
      %select_n3A = arith.select %and3A, %sub3A_26, %div3A : i32
      %eq3A = arith.cmpi eq, %arg1, %select_n3A : i32
      %convert_element_type3A_27 = arith.extui %eq3A : i1 to i32
      %cond3A_28 = arith.constant 0 : i32
      %cond3A_29 = arith.cmpi ne, %convert_element_type3A_27, %cond3A_28 : i32
      scf.if %cond3A_29 {
        %rem3A_31 = arith.constant 5 : i32
        %rem3A_32 = arith.remsi %scan3A_7, %rem3A_31 : i32
        %mul3A_33 = arith.constant 256 : i32
        %mul3A_34 = arith.muli %rem3A_32, %mul3A_33 : i32
        %swap3A = arith.constant 0 : i32
        %swap3A_35 = arith.constant 0 : i32
        %swap3A_36 = arith.index_cast %swap3A_35 : i32 to index
        %swap3A_37 = memref.load %arg17[%swap3A_36] : memref<1xi32, #tpu.memory_space<smem>>
        memref.store %swap3A, %arg17[%swap3A_36] : memref<1xi32, #tpu.memory_space<smem>>
        %eq3A_38 = arith.constant 0 : i32
        %eq3A_39 = vector.broadcast %eq3A_38 : i32 to vector<16xi32>
        %eq3A_40 = arith.cmpi eq, %iota3A, %eq3A_39 : vector<16xi32>
        %scan3A_41 = arith.constant 0 : i32
        %scan3A_42 = arith.constant 0 : i32
        %scan3A_43 = arith.constant 256 : i32
        %scan3A_44 = arith.addi %scan3A_42, %scan3A_43 : i32
        %scan3A_45 = arith.constant 1 : i32
        %scan3A_46 = scf.for %scan3A_55 = %scan3A_42 to %scan3A_44 step %scan3A_45 iter_args(%scan3A_56 = %scan3A_41) -> (i32)  : i32 {
          %add3A = arith.addi %mul3A_34, %scan3A_55 : i32
          %broadcast_in_dim3A_57 = vector.broadcast %add3A : i32 to vector<16xi32>
          %gather3A = tpu.vector_load_idx %arg14[%broadcast_in_dim3A_57] : memref<1280xi32, #tpu.memory_space<vmem>>[vector<16xi32>], vector<16xi32>,
          %slice3A = vector.extract_strided_slice %gather3A {offsets = [0], sizes = [1], strides = [1]} : vector<16xi32> to vector<1xi32>
          %squeeze3A = vector.extract %slice3A[0] : i32 from vector<1xi32>
          %eq3A_58 = arith.constant 0 : i32
          %eq3A_59 = arith.cmpi eq, %squeeze3A, %eq3A_58 : i32
          %convert_element_type3A_60 = arith.extui %eq3A_59 : i1 to i32
          %cond3A_61 = arith.constant 0 : i32
          %cond3A_62 = arith.cmpi ne, %convert_element_type3A_60, %cond3A_61 : i32
          scf.if %cond3A_62 {
            %gather3A_64 = tpu.vector_load_idx %arg9[%broadcast_in_dim3A_57] : memref<1280xf32, #tpu.memory_space<vmem>>[vector<16xi32>], vector<16xf32>,
            %gather3A_65 = tpu.vector_load_idx %arg10[%broadcast_in_dim3A_57] : memref<1280xf32, #tpu.memory_space<vmem>>[vector<16xi32>], vector<16xf32>,
            %gather3A_66 = tpu.vector_load_idx %arg11[%broadcast_in_dim3A_57] : memref<1280xf32, #tpu.memory_space<vmem>>[vector<16xi32>], vector<16xf32>,
            %gather3A_67 = tpu.vector_load_idx %arg12[%broadcast_in_dim3A_57] : memref<1280xf32, #tpu.memory_space<vmem>>[vector<16xi32>], vector<16xf32>,
            %gather3A_68 = tpu.vector_load_idx %arg13[%broadcast_in_dim3A_57] : memref<1280xf32, #tpu.memory_space<vmem>>[vector<16xi32>], vector<16xf32>,
            %get3A_69 = arith.constant 0 : i32
            %get3A_70 = arith.index_cast %get3A_69 : i32 to index
            %get3A_71 = memref.load %arg17[%get3A_70] : memref<1xi32, #tpu.memory_space<smem>>
            %broadcast_in_dim3A_72 = vector.broadcast %get3A_71 : i32 to vector<16xi32>
            %add3A_73 = arith.constant 0 : i32
            %add3A_74 = vector.broadcast %add3A_73 : i32 to vector<16xi32>
            %add3A_75 = arith.addi %broadcast_in_dim3A_72, %add3A_74 : vector<16xi32>
            tpu.vector_store_idx %arg15[%add3A_75], %gather3A_64 masked %eq3A_40 : memref<1536xf32, #tpu.memory_space<vmem>>[vector<16xi32>], vector<16xf32>, vector<16xi1>
            %add3A_76 = arith.constant 256 : i32
            %add3A_77 = vector.broadcast %add3A_76 : i32 to vector<16xi32>
            %add3A_78 = arith.addi %broadcast_in_dim3A_72, %add3A_77 : vector<16xi32>
            tpu.vector_store_idx %arg15[%add3A_78], %gather3A_65 masked %eq3A_40 : memref<1536xf32, #tpu.memory_space<vmem>>[vector<16xi32>], vector<16xf32>, vector<16xi1>
            %add3A_79 = arith.constant 512 : i32
            %add3A_80 = vector.broadcast %add3A_79 : i32 to vector<16xi32>
            %add3A_81 = arith.addi %broadcast_in_dim3A_72, %add3A_80 : vector<16xi32>
            tpu.vector_store_idx %arg15[%add3A_81], %gather3A_66 masked %eq3A_40 : memref<1536xf32, #tpu.memory_space<vmem>>[vector<16xi32>], vector<16xf32>, vector<16xi1>
            %add3A_82 = arith.constant 768 : i32
            %add3A_83 = vector.broadcast %add3A_82 : i32 to vector<16xi32>
            %add3A_84 = arith.addi %broadcast_in_dim3A_72, %add3A_83 : vector<16xi32>
            tpu.vector_store_idx %arg15[%add3A_84], %gather3A_67 masked %eq3A_40 : memref<1536xf32, #tpu.memory_space<vmem>>[vector<16xi32>], vector<16xf32>, vector<16xi1>
            %add3A_85 = arith.constant 1024 : i32
            %add3A_86 = vector.broadcast %add3A_85 : i32 to vector<16xi32>
            %add3A_87 = arith.addi %broadcast_in_dim3A_72, %add3A_86 : vector<16xi32>
            tpu.vector_store_idx %arg15[%add3A_87], %gather3A_68 masked %eq3A_40 : memref<1536xf32, #tpu.memory_space<vmem>>[vector<16xi32>], vector<16xf32>, vector<16xi1>
            %add3A_88 = arith.constant 1 : i32
            %add3A_89 = arith.addi %get3A_71, %add3A_88 : i32
            %swap3A_90 = arith.constant 0 : i32
            %swap3A_91 = arith.index_cast %swap3A_90 : i32 to index
            %swap3A_92 = memref.load %arg17[%swap3A_91] : memref<1xi32, #tpu.memory_space<smem>>
            memref.store %add3A_89, %arg17[%swap3A_91] : memref<1xi32, #tpu.memory_space<smem>>
            %jit3A_93 = arith.constant 16 : i32
            %div3A_94 = arith.divsi %scan3A_55, %jit3A_93 : i32
            %sign3A_95 = arith.constant 0 : i32
            %sign3A_96 = arith.cmpi sgt, %scan3A_55, %sign3A_95 : i32
            %sign3A_97 = arith.extui %sign3A_96 : i1 to i32
            %sign3A_98 = arith.constant 0 : i32
            %sign3A_99 = arith.cmpi slt, %scan3A_55, %sign3A_98 : i32
            %sign3A_100 = arith.extui %sign3A_99 : i1 to i32
            %sign3A_101 = arith.subi %sign3A_97, %sign3A_100 : i32
            %sign3A_102 = arith.constant 0 : i32
            %sign3A_103 = arith.cmpi sgt, %jit3A_93, %sign3A_102 : i32
            %sign3A_104 = arith.extui %sign3A_103 : i1 to i32
            %sign3A_105 = arith.constant 0 : i32
            %sign3A_106 = arith.cmpi slt, %jit3A_93, %sign3A_105 : i32
            %sign3A_107 = arith.extui %sign3A_106 : i1 to i32
            %sign3A_108 = arith.subi %sign3A_104, %sign3A_107 : i32
            %ne3A_109 = arith.cmpi ne, %sign3A_101, %sign3A_108 : i32
            %rem3A_110 = arith.remsi %scan3A_55, %jit3A_93 : i32
            %ne3A_111 = arith.constant 0 : i32
            %ne3A_112 = arith.cmpi ne, %rem3A_110, %ne3A_111 : i32
            %and3A_113 = arith.andi %ne3A_109, %ne3A_112 : i1
            %sub3A_114 = arith.constant 1 : i32
            %sub3A_115 = arith.subi %div3A_94, %sub3A_114 : i32
            %select_n3A_116 = arith.select %and3A_113, %sub3A_115, %div3A_94 : i32
            %while3A = arith.constant 16 : i32
            %while3A_117 = arith.constant 0 : i32
            %while3A_118 = arith.subi %while3A, %select_n3A_116 : i32
            %while3A_119 = arith.addi %select_n3A_116, %while3A_118 : i32
            %while3A_120 = arith.constant 1 : i32
            %while3A_121 = arith.divsi %while3A_118, %while3A_120 : i32
            %while3A_122 = arith.muli %while3A_121, %while3A_120 : i32
            %while3A_123 = arith.addi %select_n3A_116, %while3A_122 : i32
            %while3A_124 = arith.constant 1 : i32
            %while3A_125 = scf.for %while3A_128 = %select_n3A_116 to %while3A_123 step %while3A_124 iter_args(%while3A_129 = %while3A_117) -> (i32)  : i32 {
              %mul3A_130 = arith.constant 16 : i32
              %mul3A_131 = arith.muli %while3A_128, %mul3A_130 : i32
              %add3A_132 = arith.addi %mul3A_34, %mul3A_131 : i32
              %multiple_of3A = tpu.assume_multiple %add3A_132, 16 : i32
              %get3A_133 = arith.index_cast %multiple_of3A : i32 to index
              %get3A_134 = tpu.vector_load %arg9[%get3A_133] {strides = array<i32>} : memref<1280xf32, #tpu.memory_space<vmem>>, vector<16xf32>,
              %get3A_135 = arith.index_cast %multiple_of3A : i32 to index
              %get3A_136 = tpu.vector_load %arg10[%get3A_135] {strides = array<i32>} : memref<1280xf32, #tpu.memory_space<vmem>>, vector<16xf32>,
              %get3A_137 = arith.index_cast %multiple_of3A : i32 to index
              %get3A_138 = tpu.vector_load %arg11[%get3A_137] {strides = array<i32>} : memref<1280xf32, #tpu.memory_space<vmem>>, vector<16xf32>,
              %get3A_139 = arith.index_cast %multiple_of3A : i32 to index
              %get3A_140 = tpu.vector_load %arg12[%get3A_139] {strides = array<i32>} : memref<1280xf32, #tpu.memory_space<vmem>>, vector<16xf32>,
              %get3A_141 = arith.index_cast %multiple_of3A : i32 to index
              %get3A_142 = tpu.vector_load %arg13[%get3A_141] {strides = array<i32>} : memref<1280xf32, #tpu.memory_space<vmem>>, vector<16xf32>,
              %max3A = arith.maximumf %gather3A_64, %get3A_134 : vector<16xf32>
              %max3A_143 = arith.maximumf %gather3A_65, %get3A_136 : vector<16xf32>
              %min3A = arith.minimumf %gather3A_66, %get3A_138 : vector<16xf32>
              %min3A_144 = arith.minimumf %gather3A_67, %get3A_140 : vector<16xf32>
              %sub3A_145 = arith.subf %min3A, %max3A : vector<16xf32>
              %max3A_146 = arith.constant 0.000000e+00 : f32
              %max3A_147 = vector.broadcast %max3A_146 : f32 to vector<16xf32>
              %max3A_148 = arith.maximumf %sub3A_145, %max3A_147 : vector<16xf32>
              %sub3A_149 = arith.subf %min3A_144, %max3A_143 : vector<16xf32>
              %max3A_150 = arith.constant 0.000000e+00 : f32
              %max3A_151 = vector.broadcast %max3A_150 : f32 to vector<16xf32>
              %max3A_152 = arith.maximumf %sub3A_149, %max3A_151 : vector<16xf32>
              %mul3A_153 = arith.mulf %max3A_148, %max3A_152 : vector<16xf32>
              %add3A_154 = arith.addf %gather3A_68, %get3A_142 : vector<16xf32>
              %sub3A_155 = arith.subf %add3A_154, %mul3A_153 : vector<16xf32>
              %add3A_156 = arith.constant 9.99999971E-10 : f32
              %add3A_157 = vector.broadcast %add3A_156 : f32 to vector<16xf32>
              %add3A_158 = arith.addf %sub3A_155, %add3A_157 : vector<16xf32>
              %mul3A_159 = arith.constant 0.699999988 : f32
              %mul3A_160 = vector.broadcast %mul3A_159 : f32 to vector<16xf32>
              %mul3A_161 = arith.mulf %mul3A_160, %add3A_158 : vector<16xf32>
              %gt3A_162 = arith.cmpf ogt, %mul3A_153, %mul3A_161 : vector<16xf32>
              %add3A_163 = vector.broadcast %multiple_of3A : i32 to vector<16xi32>
              %add3A_164 = arith.addi %add3A_163, %iota3A : vector<16xi32>
              %gt3A_165 = vector.broadcast %add3A : i32 to vector<16xi32>
              %gt3A_166 = arith.cmpi sgt, %add3A_164, %gt3A_165 : vector<16xi32>
              %and3A_167 = arith.andi %gt3A_162, %gt3A_166 : vector<16xi1>
              %get3A_168 = arith.index_cast %multiple_of3A : i32 to index
              %get3A_169 = tpu.vector_load %arg14[%get3A_168] {strides = array<i32>} : memref<1280xi32, #tpu.memory_space<vmem>>, vector<16xi32>,
              %convert_element_type3A_170 = arith.extui %and3A_167 : vector<16xi1> to vector<16xi32>
              %or3A = arith.ori %get3A_169, %convert_element_type3A_170 : vector<16xi32>
              %swap3A_171 = arith.index_cast %multiple_of3A : i32 to index
              %swap3A_172 = tpu.vector_load %arg14[%swap3A_171] {strides = array<i32>} : memref<1280xi32, #tpu.memory_space<vmem>>, vector<16xi32>,
              tpu.vector_store %arg14[%swap3A_171], %or3A {strides = array<i32>} : memref<1280xi32, #tpu.memory_space<vmem>>, vector<16xi32>,
              %while3A_173 = arith.constant 0 : i32
              scf.yield %while3A_173 : i32
            }
            %while3A_126 = arith.constant 1 : i32
            %while3A_127 = scf.for %while3A_128 = %while3A_123 to %while3A_119 step %while3A_126 iter_args(%while3A_129 = %while3A_125) -> (i32)  : i32 {
              %mul3A_130 = arith.constant 16 : i32
              %mul3A_131 = arith.muli %while3A_128, %mul3A_130 : i32
              %add3A_132 = arith.addi %mul3A_34, %mul3A_131 : i32
              %multiple_of3A = tpu.assume_multiple %add3A_132, 16 : i32
              %get3A_133 = arith.index_cast %multiple_of3A : i32 to index
              %get3A_134 = tpu.vector_load %arg9[%get3A_133] {strides = array<i32>} : memref<1280xf32, #tpu.memory_space<vmem>>, vector<16xf32>,
              %get3A_135 = arith.index_cast %multiple_of3A : i32 to index
              %get3A_136 = tpu.vector_load %arg10[%get3A_135] {strides = array<i32>} : memref<1280xf32, #tpu.memory_space<vmem>>, vector<16xf32>,
              %get3A_137 = arith.index_cast %multiple_of3A : i32 to index
              %get3A_138 = tpu.vector_load %arg11[%get3A_137] {strides = array<i32>} : memref<1280xf32, #tpu.memory_space<vmem>>, vector<16xf32>,
              %get3A_139 = arith.index_cast %multiple_of3A : i32 to index
              %get3A_140 = tpu.vector_load %arg12[%get3A_139] {strides = array<i32>} : memref<1280xf32, #tpu.memory_space<vmem>>, vector<16xf32>,
              %get3A_141 = arith.index_cast %multiple_of3A : i32 to index
              %get3A_142 = tpu.vector_load %arg13[%get3A_141] {strides = array<i32>} : memref<1280xf32, #tpu.memory_space<vmem>>, vector<16xf32>,
              %max3A = arith.maximumf %gather3A_64, %get3A_134 : vector<16xf32>
              %max3A_143 = arith.maximumf %gather3A_65, %get3A_136 : vector<16xf32>
              %min3A = arith.minimumf %gather3A_66, %get3A_138 : vector<16xf32>
              %min3A_144 = arith.minimumf %gather3A_67, %get3A_140 : vector<16xf32>
              %sub3A_145 = arith.subf %min3A, %max3A : vector<16xf32>
              %max3A_146 = arith.constant 0.000000e+00 : f32
              %max3A_147 = vector.broadcast %max3A_146 : f32 to vector<16xf32>
              %max3A_148 = arith.maximumf %sub3A_145, %max3A_147 : vector<16xf32>
              %sub3A_149 = arith.subf %min3A_144, %max3A_143 : vector<16xf32>
              %max3A_150 = arith.constant 0.000000e+00 : f32
              %max3A_151 = vector.broadcast %max3A_150 : f32 to vector<16xf32>
              %max3A_152 = arith.maximumf %sub3A_149, %max3A_151 : vector<16xf32>
              %mul3A_153 = arith.mulf %max3A_148, %max3A_152 : vector<16xf32>
              %add3A_154 = arith.addf %gather3A_68, %get3A_142 : vector<16xf32>
              %sub3A_155 = arith.subf %add3A_154, %mul3A_153 : vector<16xf32>
              %add3A_156 = arith.constant 9.99999971E-10 : f32
              %add3A_157 = vector.broadcast %add3A_156 : f32 to vector<16xf32>
              %add3A_158 = arith.addf %sub3A_155, %add3A_157 : vector<16xf32>
              %mul3A_159 = arith.constant 0.699999988 : f32
              %mul3A_160 = vector.broadcast %mul3A_159 : f32 to vector<16xf32>
              %mul3A_161 = arith.mulf %mul3A_160, %add3A_158 : vector<16xf32>
              %gt3A_162 = arith.cmpf ogt, %mul3A_153, %mul3A_161 : vector<16xf32>
              %add3A_163 = vector.broadcast %multiple_of3A : i32 to vector<16xi32>
              %add3A_164 = arith.addi %add3A_163, %iota3A : vector<16xi32>
              %gt3A_165 = vector.broadcast %add3A : i32 to vector<16xi32>
              %gt3A_166 = arith.cmpi sgt, %add3A_164, %gt3A_165 : vector<16xi32>
              %and3A_167 = arith.andi %gt3A_162, %gt3A_166 : vector<16xi1>
              %get3A_168 = arith.index_cast %multiple_of3A : i32 to index
              %get3A_169 = tpu.vector_load %arg14[%get3A_168] {strides = array<i32>} : memref<1280xi32, #tpu.memory_space<vmem>>, vector<16xi32>,
              %convert_element_type3A_170 = arith.extui %and3A_167 : vector<16xi1> to vector<16xi32>
              %or3A = arith.ori %get3A_169, %convert_element_type3A_170 : vector<16xi32>
              %swap3A_171 = arith.index_cast %multiple_of3A : i32 to index
              %swap3A_172 = tpu.vector_load %arg14[%swap3A_171] {strides = array<i32>} : memref<1280xi32, #tpu.memory_space<vmem>>, vector<16xi32>,
              tpu.vector_store %arg14[%swap3A_171], %or3A {strides = array<i32>} : memref<1280xi32, #tpu.memory_space<vmem>>, vector<16xi32>,
              %while3A_173 = arith.constant 0 : i32
              scf.yield %while3A_173 : i32
            }
          } else {
          }
          %scan3A_63 = arith.constant 0 : i32
          scf.yield %scan3A_63 : i32
        }
        %scan3A_47 = arith.constant 256 : i32
        %get3A = arith.constant 0 : i32
        %get3A_48 = arith.index_cast %get3A : i32 to index
        %get3A_49 = memref.load %arg17[%get3A_48] : memref<1xi32, #tpu.memory_space<smem>>
        %convert_element_type3A_50 = arith.sitofp %get3A_49 : i32 to f32
        %broadcast_in_dim3A = vector.broadcast %convert_element_type3A_50 : f32 to vector<16xf32>
        %broadcast_in_dim3A_51 = arith.constant 1280 : i32
        %broadcast_in_dim3A_52 = vector.broadcast %broadcast_in_dim3A_51 : i32 to vector<16xi32>
        tpu.vector_store_idx %arg15[%broadcast_in_dim3A_52], %broadcast_in_dim3A masked %eq3A_40 : memref<1536xf32, #tpu.memory_space<vmem>>[vector<16xi32>], vector<16xf32>, vector<16xi1>
        %rem3A_53 = arith.constant 2 : i32
        %rem3A_54 = arith.remsi %scan3A_7, %rem3A_53 : i32
        "tpu.region"() ({
          %run_scoped3A = tpu.sem_alloc : memref<!tpu.dma_semaphore, #tpu.memory_space<semaphore_mem>>
          %dma_start3A = arith.constant 0 : i32
          %dma_start3A_55 = tpu.memref_slice %arg18[%rem3A_54, %dma_start3A] : memref<2x1536xf32, #tpu.memory_space<vmem_shared>> -> memref<1x1536xf32, #tpu.memory_space<vmem_shared>>
          %dma_start3A_56 = tpu.memref_squeeze %dma_start3A_55 : memref<1x1536xf32, #tpu.memory_space<vmem_shared>> -> memref<1536xf32, #tpu.memory_space<vmem_shared>>
          %dma_start3A_57 = arith.constant 0 : i32
          %dma_start3A_58 = tpu.memref_slice %arg18[%rem3A_54, %dma_start3A_57] : memref<2x1536xf32, #tpu.memory_space<vmem_shared>> -> memref<1x1536xf32, #tpu.memory_space<vmem_shared>>
          %dma_start3A_59 = tpu.memref_squeeze %dma_start3A_58 : memref<1x1536xf32, #tpu.memory_space<vmem_shared>> -> memref<1536xf32, #tpu.memory_space<vmem_shared>>
          tpu.enqueue_dma source(%arg15 : memref<1536xf32, #tpu.memory_space<vmem>>) target(%dma_start3A_59 : memref<1536xf32, #tpu.memory_space<vmem_shared>>) target_semaphore(%run_scoped3A : memref<!tpu.dma_semaphore, #tpu.memory_space<semaphore_mem>>)
          %dma_wait3A = arith.constant 0 : i32
          %dma_wait3A_60 = tpu.memref_slice %arg18[%rem3A_54, %dma_wait3A] : memref<2x1536xf32, #tpu.memory_space<vmem_shared>> -> memref<1x1536xf32, #tpu.memory_space<vmem_shared>>
          %dma_wait3A_61 = tpu.memref_squeeze %dma_wait3A_60 : memref<1x1536xf32, #tpu.memory_space<vmem_shared>> -> memref<1536xf32, #tpu.memory_space<vmem_shared>>
          %dma_wait3A_62 = arith.constant 0 : i32
          %dma_wait3A_63 = tpu.memref_slice %arg18[%rem3A_54, %dma_wait3A_62] : memref<2x1536xf32, #tpu.memory_space<vmem_shared>> -> memref<1x1536xf32, #tpu.memory_space<vmem_shared>>
          %dma_wait3A_64 = tpu.memref_squeeze %dma_wait3A_63 : memref<1x1536xf32, #tpu.memory_space<vmem_shared>> -> memref<1536xf32, #tpu.memory_space<vmem_shared>>
          tpu.wait_dma2 semaphore(%run_scoped3A : memref<!tpu.dma_semaphore, #tpu.memory_space<semaphore_mem>>) src(%arg15 : memref<1536xf32, #tpu.memory_space<vmem>>) dst(%dma_wait3A_64 : memref<1536xf32, #tpu.memory_space<vmem_shared>>)
          tpu.yield
        }) : () -> ()
      } else {
      }
      %barrier3A = arith.constant 0 : index
      tpu.barrier barrier_id(%barrier3A)
      %scan3A_30 = arith.constant 0 : i32
      scf.yield %scan3A_30 : i32
    }
    %scan3A_6 = arith.constant 80 : i32
    "tpu.region"() ({
      %run_scoped3A = tpu.sem_alloc : memref<!tpu.dma_semaphore, #tpu.memory_space<semaphore_mem>>
      %dma_start3A = tpu.memref_slice %arg8[%mul3A_0] : memref<20480xi32, #tpu.memory_space<hbm>> -> memref<1280xi32, #tpu.memory_space<hbm>>
      %dma_start3A_7 = tpu.memref_slice %arg8[%mul3A_0] : memref<20480xi32, #tpu.memory_space<hbm>> -> memref<1280xi32, #tpu.memory_space<hbm>>
      tpu.enqueue_dma source(%arg14 : memref<1280xi32, #tpu.memory_space<vmem>>) target(%dma_start3A_7 : memref<1280xi32, #tpu.memory_space<hbm>>) target_semaphore(%run_scoped3A : memref<!tpu.dma_semaphore, #tpu.memory_space<semaphore_mem>>)
      %dma_wait3A = tpu.memref_slice %arg8[%mul3A_0] : memref<20480xi32, #tpu.memory_space<hbm>> -> memref<1280xi32, #tpu.memory_space<hbm>>
      %dma_wait3A_8 = tpu.memref_slice %arg8[%mul3A_0] : memref<20480xi32, #tpu.memory_space<hbm>> -> memref<1280xi32, #tpu.memory_space<hbm>>
      tpu.wait_dma2 semaphore(%run_scoped3A : memref<!tpu.dma_semaphore, #tpu.memory_space<semaphore_mem>>) src(%arg14 : memref<1280xi32, #tpu.memory_space<vmem>>) dst(%dma_wait3A_8 : memref<1280xi32, #tpu.memory_space<hbm>>)
      tpu.yield
    }) : () -> ()
    return
  }
}

</mosaic_0001>

<sc_bundles>
// kernel: gather_offload_async_start
scs
__scs_entry_jumppad:
0x0: {  	(pc) =	sbr.rel $0x88, $3  }
0x1: {  	(tag) =	ssettag $0x0;
	lr =	simm.s32 $0x1  }
0x2: {  	[smem:$0x3F9F] =	sst lr;
	_ =	strace $0xD0000000  }
0x3: {  	_ = 	snop  }
0x4: {  	_ = 	snop  }
0x5: {  	_ = 	snop  }
0x6: {  	_ = 	snop  }
0x7: {  	_ = 	snop  }
__scs_overlays_trampoline_lowered:
0x8: {  	[smem:$0x3FAE] =	sst s0  }
0x9: {  	[smem:$0x3FAF] =	sst s1  }
0xa: {  	[smem:$0x3FB0] =	sst s2  }
0xb: {  	[smem:$0x3FB1] =	sst s3  }
0xc: {  	[smem:$0x3FB2] =	sst s4  }
0xd: {  	[smem:$0x3FB3] =	sst s5  }
0xe: {  	[smem:$0x3FB4] =	sst s6  }
0xf: {  	[smem:$0x3FB5] =	sst s7  }
0x10: {  	[smem:$0x3FB6] =	sst s8  }
0x11: {  	[smem:$0x3FB7] =	sst s9;
	s0 =	simm.s32 @!p0 $0x0  }
0x12: {  	s1 =	sld [smem:$0x3F9D];
	s0 =	simm.s32 @p0 $0x1  }
0x13: {  	[smem:$0x3FB8] =	sst s0;
	s0 =	simm.s32 @!p1 $0x0  }
0x14: {  	s2 =	sld [smem:$0x3F9C];
	s0 =	simm.s32 @p1 $0x1  }
0x15: {  	[smem:$0x3FB9] =	sst s0;
	s0 =	simm.s32 @!p2 $0x0  }
0x16: {  	s3 =	sld [smem:$0x3FDB];
	s0 =	simm.s32 @p2 $0x1  }
0x17: {  	s4 =	simm.s32 $0x1BF5;
	[smem:$0x3FBB] =	sst s0  }
0x18: {  	s0 =	sld [smem:$0x3F9E];
	_ =	swait.ge [sflag:s4], $0x0  }
0x19: {  	s7 =	sld [smem:$0x3F9F]  }
0x1a: {  	s8 =	sadd.s32 $0xFFFFE003, lr  }
0x1b: {  	s9 =	sadd.s32 $0xFFFFFEF7, lr;
	s5 =	simm.s32 $0xFFFFFFFF;
	p2 =	slt.u32 s8, $0xFFFFF086  }
0x1c: {  	p1 =	slt.u32 s9, $0xF7A;
	s5 =	simm.s32 @!p2 $0x0  }
0x1d: {  	s5 =	simm.s32 @p1 $0x1;
	p0 =	seq.s32 s7, s2  }
0x1e: {  	s7 =	smul.u32 @!p0 $0xF7A, s2;
	p2 =	seq.s32 @!p0 s5, $0x0  }
0x1f: {  	s9 =	smul.u32 $0xF7A, s1;
	s8 =	simm.s32 @!p0 $0x1BF5;
	p2 =	por !p2, p0  }
0x20: {  	[sflag:s8] =	ssyncset.s32 @!p0 $0xFFFFF086;
	s6 =	sadd.s32 @!p0 s3, s7;
	s7 =	simm.s32 @!p0 $0x108  }
0x21: {  	s3 =	sadd.s32 s3, s9;
	s6 =	sadd.s32 @!p0 $0x88, s6;
	s7 =	simm.s32 @p2 $0x1082  }
0x22: {  	[simem:s7], [sflag:s8] =	dma.local @!p0 [hbm:s6], $0xF7A  }
0x23: {  	s9 =	sor.u32 $0xD0000000, s2;
	s6 =	simm.s32 $0x108;
	_ =	swait.ge @!p0 [sflag:s8], $0x0  }
0x24: {  	s3 =	sadd.s32 $0x88, s3;
	s6 =	simm.s32 @!p1 $0x1082;
	[sflag:s4] =	ssyncset.s32 $0xFFFFF086  }
0x25: {  	[simem:s6], [sflag:s4] =	dma.local [hbm:s3], $0xF7A  }
0x26: {  	[smem:$0x3F9F] =	sst s1;
	(tag) =	ssettag s2;
	_ =	strace s9  }
0x27: {  	s1 =	sld [smem:$0x3FAF]  }
0x28: {  	s2 =	sld [smem:$0x3FB0]  }
0x29: {  	s4 =	sld [smem:$0x3FB2]  }
0x2a: {  	p0 =	seq.s32 s5, $0x0;
	s5 =	sld [smem:$0x3FB3]  }
0x2b: {  	s6 =	sld [smem:$0x3FB4]  }
0x2c: {  	s7 =	sld [smem:$0x3FB5]  }
0x2d: {  	s3 =	simm.s32 $0x108;
	s8 =	sld [smem:$0x3FB6]  }
0x2e: {  	s3 =	simm.s32 @!p0 $0x1082;
	s9 =	sld [smem:$0x3FB7]  }
0x2f: {  	lr =	sadd.s32 s0, s3;
	s0 =	sld [smem:$0x3FAE]  }
0x30: {  	s3 =	sld [smem:$0x3FB1]  }
0x31: {  	[smem:$0x3FBA] =	sst s10  }
0x32: {  	s10 =	sld [smem:$0x3FB8];
	_ =	sdelay $0x3  }
0x33: {  	p0 =	seq.s32 s10, $0x1;
	s10 =	sld [smem:$0x3FBA];
	_ =	sdelay $0x3  }
0x34: {  	[smem:$0x3FBA] =	sst s10  }
0x35: {  	s10 =	sld [smem:$0x3FB9];
	_ =	sdelay $0x3  }
0x36: {  	p1 =	seq.s32 s10, $0x1;
	s10 =	sld [smem:$0x3FBA];
	_ =	sdelay $0x3  }
0x37: {  	[smem:$0x3FBA] =	sst s10  }
0x38: {  	s10 =	sld [smem:$0x3FBB]  }
0x39: {  	_ = 	snop;
	(pc) =	sbr.ind lr, $3  }
0x3a: {  	_ = 	snop  }
0x3b: {  	_ = 	snop  }
0x3c: {  	p2 =	seq.s32 s10, $0x1;
	s10 =	sld [smem:$0x3FBA]  }
0x3d: {  	_ =	shalt  }
0x3e: {  	_ =	shalt  }
0x3f: {  	_ =	shalt  }
0x40: {  	_ =	shalt  }
0x41: {  	_ =	shalt  }
0x42: {  	_ =	shalt  }
0x43: {  	_ =	shalt  }
0x44: {  	_ =	shalt  }
0x45: {  	_ =	shalt  }
0x46: {  	_ =	shalt  }
0x47: {  	_ =	shalt  }
0x48: {  	_ =	shalt  }
0x49: {  	_ =	shalt  }
0x4a: {  	_ =	shalt  }
0x4b: {  	_ =	shalt  }
0x4c: {  	_ =	shalt  }
0x4d: {  	_ =	shalt  }
0x4e: {  	_ =	shalt  }
0x4f: {  	_ =	shalt  }
0x50: {  	_ =	shalt  }
0x51: {  	_ =	shalt  }
0x52: {  	_ =	shalt  }
0x53: {  	_ =	shalt  }
0x54: {  	_ =	shalt  }
0x55: {  	_ =	shalt  }
0x56: {  	_ =	shalt  }
0x57: {  	_ =	shalt  }
0x58: {  	_ =	shalt  }
0x59: {  	_ =	shalt  }
0x5a: {  	_ =	shalt  }
0x5b: {  	_ =	shalt  }
0x5c: {  	_ =	shalt  }
0x5d: {  	_ =	shalt  }
0x5e: {  	_ =	shalt  }
0x5f: {  	_ =	shalt  }
0x60: {  	_ =	shalt  }
0x61: {  	_ =	shalt  }
0x62: {  	_ =	shalt  }
0x63: {  	_ =	shalt  }
0x64: {  	_ =	shalt  }
0x65: {  	_ =	shalt  }
0x66: {  	_ =	shalt  }
0x67: {  	_ =	shalt  }
0x68: {  	_ =	shalt  }
0x69: {  	_ =	shalt  }
0x6a: {  	_ =	shalt  }
0x6b: {  	_ =	shalt  }
0x6c: {  	_ =	shalt  }
0x6d: {  	_ =	shalt  }
0x6e: {  	_ =	shalt  }
0x6f: {  	_ =	shalt  }
0x70: {  	_ =	shalt  }
0x71: {  	_ =	shalt  }
0x72: {  	_ =	shalt  }
0x73: {  	_ =	shalt  }
0x74: {  	_ =	shalt  }
0x75: {  	_ =	shalt  }
0x76: {  	_ =	shalt  }
0x77: {  	_ =	shalt  }
0x78: {  	_ =	shalt  }
0x79: {  	_ =	shalt  }
0x7a: {  	_ =	shalt  }
0x7b: {  	_ =	shalt  }
0x7c: {  	_ =	shalt  }
0x7d: {  	_ =	shalt  }
0x7e: {  	_ =	shalt  }
0x7f: {  	_ =	shalt  }
0x80: {  	_ =	shalt  }
0x81: {  	_ =	shalt  }
0x82: {  	_ =	shalt  }
0x83: {  	_ =	shalt  }
0x84: {  	_ =	shalt  }
0x85: {  	_ =	shalt  }
0x86: {  	_ =	shalt  }
0x87: {  	_ =	shalt  }
.Lfunc_end0:
.L_simem_size_0:
called_computation_lowered:
.L_overlay_start_0:
0x88: {  	s2 =	sld [smem:$0x3FD9]  }
0x89: {  	s3 =	sld [smem:$0x3FFE];
	_ =	sdelay $0x1  }
0x8a: {  	s1 =	srdreg.scid  }
0x8b: {  	s0 =	sand.u32 $0x1, s1  }
0x8c: {  	s17 =	sshll.u32 s0, $0xA;
	s2 =	sadd.s32 s3, s2  }
0x8d: {  	s2 =	sadd.s32 s2, s17  }
0x8e: {  	[smem:$0x3FC6] =	sst s2  }
0x8f: {  	_ = 	snop  }
0x90: {  	s2 =	sld [smem:$0x3FD0];
	(tm) =	ssettm $0x1  }
0x91: {  	s18 =	sld [smem:$0x3FFB];
	_ =	sdelay $0x3  }
0x92: {  	_ =	strace s18  }
0x93: {  	s3 =	sld [smem:$0x3FFC];
	_ =	sdelay $0x3  }
0x94: {  	_ =	strace s3  }
0x95: {  	s3 =	sld [smem:$0x3FFD];
	_ =	sdelay $0x3  }
0x96: {  	_ =	strace s3  }
0x97: {  	_ =	strace $0x8FFFFFFF  }
0x98: {  	s19 =	sld [smem:$0x3FDB];
	_ =	sdelay $0x1  }
0x99: {  	s4 =	simm.s32 $_scs_section_size  }
0x9a: {  	s5 =	simm.s32 $_size__tile_overlayer_lowered;
	s6 =	simm.s32 $_tile_overlayer_lowered  }
0x9b: {  	s22 =	simm.s32 $0x1BFF;
	s21 =	sshll.u32 s6, $0x1;
	s3 =	sadd.s32 s4, s19  }
0x9c: {  	s7 =	simm.s32 $0x0;
	s20 =	sshll.u32 s5, $0x1;
	s5 =	sadd.s32 s21, s3  }
0x9d: {  	[timem:s7], [sflag:s22] =	dma.local [hbm:s5], s20  }
0x9e: {  	_ =	swait.ge [sflag:s22], s20  }
0x9f: {  	s4 =	ssub.s32 $0x0, s20;
	[sflag:s22] =	ssyncset.done $0x0  }
0xa0: {  	[sflag:s22] =	ssyncadd.s32 s4;
	_ =	sdelay $0x1  }
0xa1: {  	s23 =	simm.s32 $0x1B8B  }
0xa2: {  	_ =	swait.ge [sflag:s23], $0x1  }
0xa3: {  	[sflag:s23] =	ssyncset.done $0x0  }
0xa4: {  	s25 =	simm.s32 $0x1B8E;
	s24 =	sld [smem:$0x3FFE];
	[sflag:s23] =	ssyncadd.s32 $0xFFFFFFFF  }
0xa5: {  	s26 =	simm.s32 $execute0_lowered;
	[smem:$0x3FD2] =	sst s25  }
0xa6: {  	s5 =	sshll.u32 s26, $0x1;
	_ =	strace $0x80000046;
	[dreg:$0x1] =	wrdreg $0xFFFFFFFF  }
0xa7: {  	s28 =	simm.s32 $_size_execute0_lowered;
	s3 =	sadd.s32 s3, s5;
	[dreg:$0x0] =	wrdreg $0x0  }
0xa8: {  	s5 =	sshll.u32 s28, $0x1;
	[dreg:$0x2] =	wrdreg s3  }
0xa9: {  	[dreg:$0x3] =	wrdreg s5  }
0xaa: {  	[dreg:$0x4] =	wrdreg $0xC0  }
0xab: {  	_ =	task [dreg:s7], $0x5FFFF  }
0xac: {  	[dreg:$0x1] =	wrdreg $0xFFFFFFFF  }
0xad: {  	[dreg:$0x0] =	wrdreg $0x60  }
0xae: {  	[dreg:$0x2] =	wrdreg s24  }
0xaf: {  	[dreg:$0x3] =	wrdreg s2  }
0xb0: {  	[dreg:$0x4] =	wrdreg $0x9  }
0xb1: {  	_ =	task.clear_ibuf [dreg:s7], $0x5FFFF;
	_ =	strace $0x90000046  }
0xb2: {  	s29 =	simm.s32 $0x9;
	_ =	strace $0x80000048  }
0xb3: {  	_ =	swait.ge [sflag:s29], $0x1  }
0xb4: {  	[sflag:s29] =	ssyncadd.s32 $0xFFFFFFFF  }
0xb5: {  	_ =	strace $0x90000048  }
0xb6: {  	_ =	sfence  }
0xb7: {  	s30 =	sld [smem:$0x0];
	_ =	sdelay $0x2  }
0xb8: {  	s31 =	sshll.u32 s1, $0xD;
	s1 =	sshrl.u32 s1, $0x2  }
0xb9: {  	s3 =	sand.u32 $0x4000, s31;
	s1 =	sadd.s32 s1, s30  }
0xba: {  	s0 =	sor.u32 s3, s0;
	s1 =	sshll.u32 s1, $0x11  }
0xbb: {  	s0 =	sor.u32 s1, s0  }
0xbc: {  	s0 =	sadd.s32 $0x8F2B, s0  }
0xbd: {  	[sflag:s0] =	ssyncadd.remote.s32 $0x1  }
0xbe: {  	_ =	sfence.sel $0xFFFF  }
0xbf: {  	[dreg:$0x0] =	wrdreg $0xFFFFFFFF;
	(pc) =	sbr.abs _section_cstart, $3  }
0xc0: {  	[dreg:$0x1] =	wrdreg $0xFFFFFFFF  }
0xc1: {  	_ =	task.clear_ibuf [dreg:s7], $0x2FFFF;
	_ =	strace $0x9FFFFFFF  }
0xc2: {  	(tm) =	ssettm $0x7FFFFFFF  }
0xc3: {  	_ =	shalt  }
tec
execute0_lowered:
.L_overlay_start_1:
0x0: {  	(tag) =	ssettag $0x1  }
0x1: {  	s0 =	srdreg.scid  }
0x2: {  	s1 =	sshll.u32 s0, $0x4  }
0x3: {  	s0 =	stileid.u32;
	s1 =	sand.u32 $0x10, s1  }
0x4: {  	s2 =	sor.u32 s0, s1  }
0x5: {  	s1 =	smin.u32 s2, $0x12  }
0x6: {  	s1 =	sadd.s32 s2, s1  }
0x7: {  	p0 =	slt.u32 s2, $0x12;
	s2 =	simm.s32 $0x320;
	s1 =	smul.u32 $0x190, s1  }
0x8: {  	s2 =	simm.s32 @!p0 $0x190  }
0x9: {  	s2 =	sadd.s32 s2, s1  }
0xa: {  	s3 =	smin.u32 s2, $0x4E20  }
0xb: {  	s7 =	ssub.s32 s3, s1  }
0xc: {  	p0 =	sgt.s32 s7, $0x0  }
0xd: {  	s7 =	simm.s32 @!p0 $0x0  }
0xe: {  	s31 =	sand.u32 $0xFFF0, s7  }
0xf: {  	s2 =	sshrl.u32 s31, $0x4  }
0x10: {  	s4 =	rddreg [dreg:$0x0];
	s2 =	smul.u32 $0xA3E, s2  }
0x11: {  	s5 =	rddreg [dreg:$0x1]  }
0x12: {  	s6 =	simm.s32 $0x1;
	s10 =	simm.s32 $0x3;
	s8 =	sshrl.u32 s2, $0x10  }
0x13: {  	s13 =	simm.s32 $0x0;
	s12 =	simm.s32 $0x0;
	s9 =	smul.u32 $0x190, s8  }
.Ltmp0:
0x14: {  	s11 =	smov.u32 s1;
	s2 =	rddreg [dreg:$0x2];
	(pc) =	sbr.rel .LBB2_1-.Ltmp0, $4  }
0x15: {  	_ =	strace $0x80000047;
	p0 =	sne.s32 s7, s9;
	s9 =	simm.s32 $0x1  }
0x16: {  	[sflag:s6] =	ssyncpa.u1 $0x0;
	s7 =	simm.s32 $0x2;
	s9 =	simm.s32 @!p0 $0x0  }
0x17: {  	[sflag:s7] =	ssyncpa.u1 $0x0;
	p0 =	por $0x0, $0x0;
	s8 =	sadd.s32 s8, s9  }
0x18: {  	vm0 =	vmmov $0xff;
	vm1 =	vcmask $0x3F20;
	s9 =	sadd.s32 $0x4E200, s4;
	[sflag:s10] =	ssyncpa.u1 $0x0;
	s10 =	sadd.s32 $0x1, s8  }
.LBB2_6:
0x19: {  	[hbm:s17] =	stream.linear.scatter [tilespmem:s14], [sflag:$0x3], $0x400, $0x38;
	[tilespmem:$0x19320] =	vst v63  }
.LBB2_7:
0x1a: {  	s13 =	sadd.s32 $0x190, s11  }
0x1b: {  	s15 =	smov.u32 s1;
	p2 =	slt.s32 s13, s3  }
0x1c: {  	s15 =	smov.u32 @p2 s13;
	p2 =	sne.s32 s12, s10  }
.Ltmp1:
0x1d: {  	p1 =	slt.u32 s12, $0x2;
	(pc) =	sbr.rel @!p2 .LBB2_8-.Ltmp1, $4  }
0x1e: {  	s14 =	simm.s32 @!p1 $0x3  }
0x1f: {  	s16 =	sadd.s32 $0x1, s12;
	_ =	swait.ge @!p1 [sflag:s14], $0xC800  }
0x20: {  	p0 =	por !p0, !p0;
	s13 =	smov.u32 s11;
	[sflag:s14] =	ssyncset.done @!p1 $0x0  }
0x21: {  	s12 =	smov.u32 s16;
	s11 =	smov.u32 s15;
	[sflag:s14] =	ssyncadd.s32 @!p1 $0xFFFF3800  }
.LBB2_1:
0x22: {  	p1 =	sge.u32 s12, s8  }
0x23: {  	s14 =	sxor.u32 @!p1 $0xFFFFFFFF, s12  }
0x24: {  	s14 =	sand.u32 @!p1 $0x1, s14  }
0x25: {  	s14 =	smul.u32 @!p1 $0x640, s14  }
0x26: {  	s31 =	sadd.s32 $0xFFFFFFFF, s12;
	s15 =	sshrl.u32 @!p1 s11, $0x3  }
0x27: {  	s16 =	sand.u32 @!p1 $0x7, s11;
	s15 =	sadd.s32 @!p1 s5, s15;
	s14 =	sshrl.u32 @!p1 s14, $0x2  }
0x28: {  	[tilespmem:s14], [sflag:$0x2] =	stream.linear.gather @!p1 [hbm4b:s15+s16], $0x190, $0x38;
	[tilespmem:$0x19320] =	vst v63  }
0x29: {  	p1 =	sge.u32 s31, s8  }
.Ltmp2:
0x2a: {  	_ = 	snop;
	(pc) =	sbr.rel @p1 .LBB2_7-.Ltmp2, $1  }
0x2b: {  	_ =	sdelay $0x3  }
0x2c: {  	s14 =	simm.s32 $0x1  }
0x2d: {  	s14 =	simm.s32 @!p0 $0x0  }
0x2e: {  	s15 =	smul.u32 $0x640, s14  }
0x2f: {  	_ =	swait.ge [sflag:s7], $0x190  }
0x30: {  	[sflag:s7] =	ssyncset.done $0x0;
	s16 =	sshrl.u32 s15, $0x2  }
0x31: {  	[sflag:s7] =	ssyncadd.s32 $0xFFFFFE70;
	s15 =	sadd.s32 $0x0, s16  }
0x32: {  	v0 =	vld.msk [tilespmem:s15+$0x0 ss:$0x1], $0xffff;
	_ =	sdelay $0x4  }
0x33: {  	vm2 =	vgt.s32 v0, $0x0  }
0x34: {  	v0 =	vnsel vm2, $0x0, v0  }
0x35: {  	v0 =	vmin.u32 v0, $0x4E1F  }
0x36: {  	v0 =	vshll.u32 v0, $0x4  }
0x37: {  	s14 =	smul.u32 $0x32000, s14;
	_ =	sdelay $0x1  }
0x38: {  	s14 =	sshrl.u32 s14, $0x2  }
0x39: {  	s14 =	sor.u32 $0x320, s14  }
0x3a: {  	[tilespmem:s14], [sflag:$0x1] =	stream.indirect_vreg.gather [hbm:s4], $0x80, v0, vm0, $0x38;
	[tilespmem:$0x19320] =	vst v63  }
0x3b: {  	s17 =	sadd.s32 $0x10, s16;
	s15 =	sadd.s32 $0x400, s14  }
0x3c: {  	[tilespmem:s15], [sflag:$0x1] =	stream.indirect_vreg.gather [hbm:s4], $0x80, v0, vm1, $0x38;
	[tilespmem:$0x19320] =	vst v63  }
0x3d: {  	s18 =	simm.s32 $0x80;
	v0 =	vld.msk [tilespmem:s17+$0x0 ss:$0x1], $0xffff;
	s17 =	smov.u32 s14  }
.LBB2_3:
0x3e: {  	p1 =	sne.s32 s18, $0x600;
	_ =	sdelay $0x4  }
0x3f: {  	vm2 =	vgt.s32 v0, $0x0  }
0x40: {  	v0 =	vnsel vm2, $0x0, v0  }
0x41: {  	v0 =	vmin.u32 v0, $0x4E1F  }
0x42: {  	v0 =	vshll.u32 v0, $0x4;
	_ =	sdelay $0x3  }
.Ltmp3:
0x43: {  	s19 =	sshra.s32 s18, $0x2;
	s17 =	sadd.s32 $0x800, s17;
	(pc) =	sbr.rel @p1 .LBB2_3-.Ltmp3, $4  }
0x44: {  	[tilespmem:s17], [sflag:$0x1] =	stream.indirect_vreg.gather [hbm:s4], $0x80, v0, vm0, $0x38;
	[tilespmem:$0x19320] =	vst v63  }
0x45: {  	s19 =	sadd.s32 s19, s16;
	s20 =	sadd.s32 $0x400, s17  }
0x46: {  	[tilespmem:s20], [sflag:$0x1] =	stream.indirect_vreg.gather [hbm:s4], $0x80, v0, vm1, $0x38;
	[tilespmem:$0x19320] =	vst v63  }
0x47: {  	s18 =	sadd.s32 $0x40, s18;
	v0 =	vld.msk [tilespmem:s19+$0x0 ss:$0x1], $0xffff  }
0x48: {  	_ =	sdelay $0x3  }
0x49: {  	vm2 =	vgt.s32 v0, $0x0  }
0x4a: {  	v0 =	vnsel vm2, $0x0, v0  }
0x4b: {  	v0 =	vmin.u32 v0, $0x4E1F  }
0x4c: {  	v0 =	vshll.u32 v0, $0x4;
	_ =	sdelay $0x3  }
0x4d: {  	s16 =	sadd.s32 $0x800, s17  }
0x4e: {  	[tilespmem:s16], [sflag:$0x1] =	stream.indirect_vreg.gather [hbm:s4], $0x80, v0, vm0, $0x38;
	[tilespmem:$0x19320] =	vst v63  }
0x4f: {  	s16 =	sadd.s32 $0x400, s16  }
0x50: {  	[tilespmem:s16], [sflag:$0x1] =	stream.indirect_vreg.gather [hbm:s4], $0x80, v0, vm1, $0x38;
	[tilespmem:$0x19320] =	vst v63  }
0x51: {  	s13 =	sshll.u32 s13, $0x4;
	_ =	swait.ge [sflag:s6], $0xC800  }
0x52: {  	s13 =	sadd.s32 s13, s9;
	[sflag:s6] =	ssyncset.done $0x0  }
0x53: {  	s17 =	sadd.s32 $0x0, s13;
	s16 =	simm.s32 $0x80;
	[sflag:s6] =	ssyncadd.s32 $0xFFFF3800  }
.LBB2_5:
0x54: {  	[hbm:s17] =	stream.linear.scatter [tilespmem:s14], [sflag:$0x3], $0x400, $0x38;
	[tilespmem:$0x19320] =	vst v63  }
0x55: {  	s17 =	smov.u32 s16;
	s14 =	smov.u32 s15;
	p1 =	sne.s32 s16, $0x1880  }
.Ltmp4:
0x56: {  	s16 =	sadd.s32 $0x80, s16;
	(pc) =	sbr.rel @p1 .LBB2_5-.Ltmp4, $2  }
0x57: {  	_ =	sdelay $0x2  }
0x58: {  	s15 =	sadd.s32 $0x400, s15;
	s17 =	sadd.s32 s17, s13  }
.Ltmp5:
0x59: {  	_ = 	snop;
	(pc) =	sbr.rel .LBB2_6-.Ltmp5, $1  }
0x5a: {  	_ =	sdelay $0x3  }
.LBB2_8:
0x5b: {  	_ =	sfence.sel $0x180000  }
0x5c: {  	s1 =	simm.s32 $0x2;
	[bflag:$0x0] =	sbarrier.arrive $0xFFFF  }
0x5d: {  	s30 =	simm.s32 $0x3;
	[sflag:s1] =	ssyncpa.u1 $0x1  }
0x5e: {  	s31 =	simm.s32 $0x1;
	[sflag:s30] =	ssyncpa.u1 $0x1  }
0x5f: {  	[sflag:s31] =	ssyncpa.u1 $0x1  }
0x60: {  	p0 =	sne.s32 s0, $0x0;
	_ =	strace $0x90000047  }
0x61: {  	s0 =	sadd.s32 @!p0 $0x100000, s2;
	[bflag:$0x2] =	sbarrier.arrive $0xFFFF  }
0x62: {  	[sflag:s0] =	ssyncadd.tile.s32 @!p0 $0x1;
	_ =	shalt  }
.Lfunc_end2:
_tile_overlayer_lowered:
.L_overlay_start_2:
0x63: {  	(tag) =	ssettag $0x2  }
0x64: {  	s0 =	rddreg [dreg:$0x0];
	s2 =	stileid.u32  }
0x65: {  	s1 =	rddreg [dreg:$0x1];
	p0 =	sne.s32 s2, $0x0  }
0x66: {  	s3 =	rddreg [dreg:$0x2];
	[bflag:$0x3] =	sbarrier.arrive $0xFFFF;
	s2 =	simm.s32 @!p0 $0x1C01  }
0x67: {  	[timem:s3], [sflag:s2] =	dma.local @!p0 [hbm:s0], s1  }
0x68: {  	s0 =	simm.s32 @!p0 $0x1  }
0x69: {  	_ =	swait.ge @!p0 [sflag:s0], s1  }
0x6a: {  	s1 =	ssub.s32 @!p0 $0x0, s1;
	[sflag:s0] =	ssyncset.done @!p0 $0x0  }
0x6b: {  	[sflag:s0] =	ssyncadd.s32 @!p0 s1  }
0x6c: {  	[bflag:$0x3] =	sbarrier.arrive $0xFFFF  }
0x6d: {  	_ =	shalt  }

// kernel: kernel.3.cloned.1.call-start
scs
__scs_entry_jumppad:
0x0: {  	(pc) =	sbr.rel $0x88, $3  }
0x1: {  	(tag) =	ssettag $0x0;
	lr =	simm.s32 $0x1  }
0x2: {  	[smem:$0x3F9F] =	sst lr;
	_ =	strace $0xD0000000  }
0x3: {  	_ = 	snop  }
0x4: {  	_ = 	snop  }
0x5: {  	_ = 	snop  }
0x6: {  	_ = 	snop  }
0x7: {  	_ = 	snop  }
__scs_overlays_trampoline_lowered:
0x8: {  	[smem:$0x3FAE] =	sst s0  }
0x9: {  	[smem:$0x3FAF] =	sst s1  }
0xa: {  	[smem:$0x3FB0] =	sst s2  }
0xb: {  	[smem:$0x3FB1] =	sst s3  }
0xc: {  	[smem:$0x3FB2] =	sst s4  }
0xd: {  	[smem:$0x3FB3] =	sst s5  }
0xe: {  	[smem:$0x3FB4] =	sst s6  }
0xf: {  	[smem:$0x3FB5] =	sst s7  }
0x10: {  	[smem:$0x3FB6] =	sst s8  }
0x11: {  	[smem:$0x3FB7] =	sst s9;
	s0 =	simm.s32 @!p0 $0x0  }
0x12: {  	s1 =	sld [smem:$0x3F9D];
	s0 =	simm.s32 @p0 $0x1  }
0x13: {  	[smem:$0x3FB8] =	sst s0;
	s0 =	simm.s32 @!p1 $0x0  }
0x14: {  	s2 =	sld [smem:$0x3F9C];
	s0 =	simm.s32 @p1 $0x1  }
0x15: {  	[smem:$0x3FB9] =	sst s0;
	s0 =	simm.s32 @!p2 $0x0  }
0x16: {  	s3 =	sld [smem:$0x3FDB];
	s0 =	simm.s32 @p2 $0x1  }
0x17: {  	s4 =	simm.s32 $0x1BF5;
	[smem:$0x3FBB] =	sst s0  }
0x18: {  	s0 =	sld [smem:$0x3F9E];
	_ =	swait.ge [sflag:s4], $0x0  }
0x19: {  	s7 =	sld [smem:$0x3F9F]  }
0x1a: {  	s8 =	sadd.s32 $0xFFFFE003, lr  }
0x1b: {  	s9 =	sadd.s32 $0xFFFFFEF7, lr;
	s5 =	simm.s32 $0xFFFFFFFF;
	p2 =	slt.u32 s8, $0xFFFFF086  }
0x1c: {  	p1 =	slt.u32 s9, $0xF7A;
	s5 =	simm.s32 @!p2 $0x0  }
0x1d: {  	s5 =	simm.s32 @p1 $0x1;
	p0 =	seq.s32 s7, s2  }
0x1e: {  	s7 =	smul.u32 @!p0 $0xF7A, s2;
	p2 =	seq.s32 @!p0 s5, $0x0  }
0x1f: {  	s9 =	smul.u32 $0xF7A, s1;
	s8 =	simm.s32 @!p0 $0x1BF5;
	p2 =	por !p2, p0  }
0x20: {  	[sflag:s8] =	ssyncset.s32 @!p0 $0xFFFFF086;
	s6 =	sadd.s32 @!p0 s3, s7;
	s7 =	simm.s32 @!p0 $0x108  }
0x21: {  	s3 =	sadd.s32 s3, s9;
	s6 =	sadd.s32 @!p0 $0x88, s6;
	s7 =	simm.s32 @p2 $0x1082  }
0x22: {  	[simem:s7], [sflag:s8] =	dma.local @!p0 [hbm:s6], $0xF7A  }
0x23: {  	s9 =	sor.u32 $0xD0000000, s2;
	s6 =	simm.s32 $0x108;
	_ =	swait.ge @!p0 [sflag:s8], $0x0  }
0x24: {  	s3 =	sadd.s32 $0x88, s3;
	s6 =	simm.s32 @!p1 $0x1082;
	[sflag:s4] =	ssyncset.s32 $0xFFFFF086  }
0x25: {  	[simem:s6], [sflag:s4] =	dma.local [hbm:s3], $0xF7A  }
0x26: {  	[smem:$0x3F9F] =	sst s1;
	(tag) =	ssettag s2;
	_ =	strace s9  }
0x27: {  	s1 =	sld [smem:$0x3FAF]  }
0x28: {  	s2 =	sld [smem:$0x3FB0]  }
0x29: {  	s4 =	sld [smem:$0x3FB2]  }
0x2a: {  	p0 =	seq.s32 s5, $0x0;
	s5 =	sld [smem:$0x3FB3]  }
0x2b: {  	s6 =	sld [smem:$0x3FB4]  }
0x2c: {  	s7 =	sld [smem:$0x3FB5]  }
0x2d: {  	s3 =	simm.s32 $0x108;
	s8 =	sld [smem:$0x3FB6]  }
0x2e: {  	s3 =	simm.s32 @!p0 $0x1082;
	s9 =	sld [smem:$0x3FB7]  }
0x2f: {  	lr =	sadd.s32 s0, s3;
	s0 =	sld [smem:$0x3FAE]  }
0x30: {  	s3 =	sld [smem:$0x3FB1]  }
0x31: {  	[smem:$0x3FBA] =	sst s10  }
0x32: {  	s10 =	sld [smem:$0x3FB8];
	_ =	sdelay $0x3  }
0x33: {  	p0 =	seq.s32 s10, $0x1;
	s10 =	sld [smem:$0x3FBA];
	_ =	sdelay $0x3  }
0x34: {  	[smem:$0x3FBA] =	sst s10  }
0x35: {  	s10 =	sld [smem:$0x3FB9];
	_ =	sdelay $0x3  }
0x36: {  	p1 =	seq.s32 s10, $0x1;
	s10 =	sld [smem:$0x3FBA];
	_ =	sdelay $0x3  }
0x37: {  	[smem:$0x3FBA] =	sst s10  }
0x38: {  	s10 =	sld [smem:$0x3FBB]  }
0x39: {  	_ = 	snop;
	(pc) =	sbr.ind lr, $3  }
0x3a: {  	_ = 	snop  }
0x3b: {  	_ = 	snop  }
0x3c: {  	p2 =	seq.s32 s10, $0x1;
	s10 =	sld [smem:$0x3FBA]  }
0x3d: {  	_ =	shalt  }
0x3e: {  	_ =	shalt  }
0x3f: {  	_ =	shalt  }
0x40: {  	_ =	shalt  }
0x41: {  	_ =	shalt  }
0x42: {  	_ =	shalt  }
0x43: {  	_ =	shalt  }
0x44: {  	_ =	shalt  }
0x45: {  	_ =	shalt  }
0x46: {  	_ =	shalt  }
0x47: {  	_ =	shalt  }
0x48: {  	_ =	shalt  }
0x49: {  	_ =	shalt  }
0x4a: {  	_ =	shalt  }
0x4b: {  	_ =	shalt  }
0x4c: {  	_ =	shalt  }
0x4d: {  	_ =	shalt  }
0x4e: {  	_ =	shalt  }
0x4f: {  	_ =	shalt  }
0x50: {  	_ =	shalt  }
0x51: {  	_ =	shalt  }
0x52: {  	_ =	shalt  }
0x53: {  	_ =	shalt  }
0x54: {  	_ =	shalt  }
0x55: {  	_ =	shalt  }
0x56: {  	_ =	shalt  }
0x57: {  	_ =	shalt  }
0x58: {  	_ =	shalt  }
0x59: {  	_ =	shalt  }
0x5a: {  	_ =	shalt  }
0x5b: {  	_ =	shalt  }
0x5c: {  	_ =	shalt  }
0x5d: {  	_ =	shalt  }
0x5e: {  	_ =	shalt  }
0x5f: {  	_ =	shalt  }
0x60: {  	_ =	shalt  }
0x61: {  	_ =	shalt  }
0x62: {  	_ =	shalt  }
0x63: {  	_ =	shalt  }
0x64: {  	_ =	shalt  }
0x65: {  	_ =	shalt  }
0x66: {  	_ =	shalt  }
0x67: {  	_ =	shalt  }
0x68: {  	_ =	shalt  }
0x69: {  	_ =	shalt  }
0x6a: {  	_ =	shalt  }
0x6b: {  	_ =	shalt  }
0x6c: {  	_ =	shalt  }
0x6d: {  	_ =	shalt  }
0x6e: {  	_ =	shalt  }
0x6f: {  	_ =	shalt  }
0x70: {  	_ =	shalt  }
0x71: {  	_ =	shalt  }
0x72: {  	_ =	shalt  }
0x73: {  	_ =	shalt  }
0x74: {  	_ =	shalt  }
0x75: {  	_ =	shalt  }
0x76: {  	_ =	shalt  }
0x77: {  	_ =	shalt  }
0x78: {  	_ =	shalt  }
0x79: {  	_ =	shalt  }
0x7a: {  	_ =	shalt  }
0x7b: {  	_ =	shalt  }
0x7c: {  	_ =	shalt  }
0x7d: {  	_ =	shalt  }
0x7e: {  	_ =	shalt  }
0x7f: {  	_ =	shalt  }
0x80: {  	_ =	shalt  }
0x81: {  	_ =	shalt  }
0x82: {  	_ =	shalt  }
0x83: {  	_ =	shalt  }
0x84: {  	_ =	shalt  }
0x85: {  	_ =	shalt  }
0x86: {  	_ =	shalt  }
0x87: {  	_ =	shalt  }
.Lfunc_end0:
.L_simem_size_0:
called_computation.1_lowered:
.L_overlay_start_0:
0x88: {  	s0 =	sld [smem:$0x3FD9]  }
0x89: {  	s1 =	sld [smem:$0x3FFE];
	_ =	sdelay $0x3  }
0x8a: {  	s0 =	sadd.s32 s1, s0  }
0x8b: {  	[smem:$0x3FC6] =	sst s0  }
0x8c: {  	_ = 	snop  }
0x8d: {  	s0 =	sld [smem:$0x3FD0];
	(tm) =	ssettm $0x1  }
0x8e: {  	s16 =	sld [smem:$0x3FFB];
	_ =	sdelay $0x3  }
0x8f: {  	_ =	strace s16  }
0x90: {  	s1 =	sld [smem:$0x3FFC];
	_ =	sdelay $0x3  }
0x91: {  	_ =	strace s1  }
0x92: {  	s1 =	sld [smem:$0x3FFD];
	_ =	sdelay $0x3  }
0x93: {  	_ =	strace s1  }
0x94: {  	_ =	strace $0x8FFFFFFF  }
0x95: {  	s17 =	sld [smem:$0x3FDB];
	_ =	sdelay $0x1  }
0x96: {  	s2 =	simm.s32 $_scs_section_size  }
0x97: {  	s3 =	simm.s32 $_size__tile_overlayer_lowered;
	s4 =	simm.s32 $_tile_overlayer_lowered  }
0x98: {  	s20 =	simm.s32 $0x1BFF;
	s19 =	sshll.u32 s4, $0x1;
	s1 =	sadd.s32 s2, s17  }
0x99: {  	s5 =	simm.s32 $0x0;
	s18 =	sshll.u32 s3, $0x1;
	s3 =	sadd.s32 s19, s1  }
0x9a: {  	[timem:s5], [sflag:s20] =	dma.local [hbm:s3], s18  }
0x9b: {  	_ =	swait.ge [sflag:s20], s18  }
0x9c: {  	s2 =	ssub.s32 $0x0, s18;
	[sflag:s20] =	ssyncset.done $0x0  }
0x9d: {  	[sflag:s20] =	ssyncadd.s32 s2;
	_ =	sdelay $0x1  }
0x9e: {  	s21 =	simm.s32 $0x1B8B  }
0x9f: {  	_ =	swait.ge [sflag:s21], $0x1  }
0xa0: {  	[sflag:s21] =	ssyncset.done $0x0  }
0xa1: {  	s23 =	simm.s32 $0x1B8E;
	s22 =	sld [smem:$0x3FFE];
	[sflag:s21] =	ssyncadd.s32 $0xFFFFFFFF  }
0xa2: {  	s24 =	simm.s32 $execute0_lowered;
	[smem:$0x3FD2] =	sst s23  }
0xa3: {  	s3 =	sshll.u32 s24, $0x1;
	_ =	strace $0x80000049;
	[dreg:$0x1] =	wrdreg $0xFFFFFFFF  }
0xa4: {  	s25 =	simm.s32 $_size_execute0_lowered;
	s1 =	sadd.s32 s1, s3;
	[dreg:$0x0] =	wrdreg $0x0  }
0xa5: {  	s3 =	sshll.u32 s25, $0x1;
	[dreg:$0x2] =	wrdreg s1  }
0xa6: {  	[dreg:$0x3] =	wrdreg s3  }
0xa7: {  	[dreg:$0x4] =	wrdreg $0xC0  }
0xa8: {  	_ =	task [dreg:s5], $0x5FFFF  }
0xa9: {  	[dreg:$0x1] =	wrdreg $0xFFFFFFFF  }
0xaa: {  	[dreg:$0x0] =	wrdreg $0x60  }
0xab: {  	[dreg:$0x2] =	wrdreg s0  }
0xac: {  	[dreg:$0x3] =	wrdreg s22  }
0xad: {  	[dreg:$0x4] =	wrdreg $0x2A000  }
0xae: {  	[dreg:$0x5] =	wrdreg $0x9  }
0xaf: {  	_ =	task.clear_ibuf [dreg:s5], $0x6FFFF;
	_ =	strace $0x90000049  }
0xb0: {  	s26 =	simm.s32 $0x9;
	_ =	strace $0x8000004B  }
0xb1: {  	_ =	swait.ge [sflag:s26], $0x1  }
0xb2: {  	[sflag:s26] =	ssyncadd.s32 $0xFFFFFFFF  }
0xb3: {  	_ =	strace $0x9000004B  }
0xb4: {  	_ =	sfence  }
0xb5: {  	s28 =	sld [smem:$0x0];
	_ =	sdelay $0x1  }
0xb6: {  	s29 =	srdreg.scid  }
0xb7: {  	s30 =	sshll.u32 s29, $0xD;
	s31 =	sshrl.u32 s29, $0x2  }
0xb8: {  	s2 =	sand.u32 $0x4000, s30;
	s1 =	sand.u32 $0x1, s29;
	s0 =	sadd.s32 s31, s28  }
0xb9: {  	s1 =	sor.u32 s2, s1;
	s0 =	sshll.u32 s0, $0x11  }
0xba: {  	s0 =	sor.u32 s0, s1  }
0xbb: {  	s0 =	sadd.s32 $0x8F2B, s0  }
0xbc: {  	[sflag:s0] =	ssyncadd.remote.s32 $0x1  }
0xbd: {  	_ =	sfence.sel $0xFFFF  }
0xbe: {  	[dreg:$0x0] =	wrdreg $0xFFFFFFFF;
	(pc) =	sbr.abs _section_cstart, $3  }
0xbf: {  	[dreg:$0x1] =	wrdreg $0xFFFFFFFF  }
0xc0: {  	_ =	task.clear_ibuf [dreg:s5], $0x2FFFF;
	_ =	strace $0x9FFFFFFF  }
0xc1: {  	(tm) =	ssettm $0x7FFFFFFF  }
tec
execute0_lowered:
.L_overlay_start_1:
0x0: {  	(tag) =	ssettag $0x1  }
0x1: {  	s6 =	rddreg [dreg:$0x0];
	s0 =	stileid.u32  }
0x2: {  	s8 =	rddreg [dreg:$0x1];
	s3 =	smul.u32 $0x500, s0  }
0x3: {  	s2 =	rddreg [dreg:$0x2];
	s4 =	simm.s32 $0x0  }
0x4: {  	[smem:$0x7FF] =	sst s4;
	s5 =	sshrl.u32 s3, $0x3  }
0x5: {  	s1 =	rddreg [dreg:$0x3];
	_ =	strace $0x8000004A;
	s6 =	sadd.s32 s6, s5  }
0x6: {  	[tilespmem:s4], [sflag:$0x1] =	stream.linear.gather [hbm4b:s6+s4], $0x500, $0x38;
	[tilespmem:$0x2AC0] =	vst v63  }
0x7: {  	s6 =	simm.s32 $0x1  }
0x8: {  	_ =	swait.ge [sflag:s6], $0x500  }
0x9: {  	[sflag:s6] =	ssyncset.done $0x0  }
0xa: {  	s9 =	simm.s32 $0x500;
	s7 =	sadd.s32 s8, s5;
	[sflag:s6] =	ssyncadd.s32 $0xFFFFFB00  }
0xb: {  	[tilespmem:s9], [sflag:$0x1] =	stream.linear.gather [hbm4b:s7+s4], $0x500, $0x38;
	[tilespmem:$0x2AC0] =	vst v63  }
0xc: {  	_ =	swait.ge [sflag:s6], $0x500  }
0xd: {  	[sflag:s6] =	ssyncset.done $0x0  }
0xe: {  	s10 =	simm.s32 $0xA00;
	s25 =	sadd.s32 $0xA00, s7;
	[sflag:s6] =	ssyncadd.s32 $0xFFFFFB00  }
0xf: {  	[tilespmem:s10], [sflag:$0x1] =	stream.linear.gather [hbm4b:s25+s4], $0x500, $0x38;
	[tilespmem:$0x2AC0] =	vst v63  }
0x10: {  	_ =	swait.ge [sflag:s6], $0x500  }
0x11: {  	[sflag:s6] =	ssyncset.done $0x0  }
0x12: {  	s28 =	simm.s32 $0xF00;
	s26 =	sadd.s32 $0x1400, s7;
	[sflag:s6] =	ssyncadd.s32 $0xFFFFFB00  }
0x13: {  	[tilespmem:s28], [sflag:$0x1] =	stream.linear.gather [hbm4b:s26+s4], $0x500, $0x38;
	[tilespmem:$0x2AC0] =	vst v63  }
0x14: {  	_ =	swait.ge [sflag:s6], $0x500  }
0x15: {  	[sflag:s6] =	ssyncset.done $0x0  }
0x16: {  	s30 =	simm.s32 $0x1400;
	s29 =	sadd.s32 $0x1E00, s7;
	[sflag:s6] =	ssyncadd.s32 $0xFFFFFB00  }
0x17: {  	[tilespmem:s30], [sflag:$0x1] =	stream.linear.gather [hbm4b:s29+s4], $0x500, $0x38;
	[tilespmem:$0x2AC0] =	vst v63  }
0x18: {  	_ =	swait.ge [sflag:s6], $0x500  }
0x19: {  	s31 =	sadd.s32 $0x2800, s7;
	[sflag:s6] =	ssyncset.done $0x0  }
.Ltmp0:
0x1a: {  	s7 =	simm.s32 $0x1900;
	[sflag:s6] =	ssyncadd.s32 $0xFFFFFB00;
	(pc) =	sbr.rel .LBB2_1-.Ltmp0, $4  }
0x1b: {  	[tilespmem:s7], [sflag:$0x1] =	stream.linear.gather [hbm4b:s31+s4], $0x500, $0x38;
	[tilespmem:$0x2AC0] =	vst v63  }
0x1c: {  	s11 =	simm.s32 $0x80;
	s12 =	simm.s32 $0x100;
	_ =	swait.ge [sflag:s6], $0x500  }
0x1d: {  	s13 =	simm.s32 $0x0;
	s8 =	sadd.s32 $0x3200, s8;
	[sflag:s6] =	ssyncset.done $0x0  }
0x1e: {  	v0 =	vimm.s32 $0x0;
	v1 =	vlaneseq.u32;
	v2 =	vimm.s32 $0x500;
	s9 =	simm.s32 $0x2400;
	s10 =	simm.s32 $0x1E00;
	[sflag:s6] =	ssyncadd.s32 $0xFFFFFB00  }
.LBB2_17:
0x1f: {  	_ = 	snop  }
0x20: {  	s14 =	scvt.s32.f32 s14  }
0x21: {  	s15 =	sshll.u32 s13, $0x7  }
0x22: {  	s31 =	sand.u32 $0x80, s15;
	v3 =	vmov s14  }
0x23: {  	s14 =	sadd.s32 s31, s2;
	[tilespmem:v2+s10+$0x0] =	vst.idx.msk $0x1, v3  }
0x24: {  	[spmem:s14] =	stream.strided.scatter [tilespmem:s10], [sflag:$0x1], $0x600, s12, s11, $0x38;
	[tilespmem:$0x2AC0] =	vst v63  }
0x25: {  	_ =	swait.ge [sflag:s6], $0x600  }
0x26: {  	[sflag:s6] =	ssyncset.done $0x0  }
0x27: {  	[sflag:s6] =	ssyncadd.s32 $0xFFFFFA00  }
.LBB2_18:
0x28: {  	s13 =	sadd.s32 $0x1, s13  }
0x29: {  	p0 =	sne.s32 s13, $0x50  }
.Ltmp1:
0x2a: {  	_ = 	snop;
	(pc) =	sbr.rel @!p0 .LBB2_19-.Ltmp1, $3  }
0x2b: {  	_ =	sdelay $0x1  }
0x2c: {  	[bflag:$0x0] =	sbarrier.arrive $0xFFFF  }
0x2d: {  	s4 =	sadd.s32 $0x100, s4  }
.LBB2_1:
0x2e: {  	p1 =	seq.s32 s13, $0x0  }
0x2f: {  	s14 =	sxor.u32 @!p1 $0xFFFFFFFF, s13  }
0x30: {  	s14 =	sshll.u32 @!p1 s14, $0x7  }
0x31: {  	s15 =	simm.s32 @!p1 $0x80;
	s14 =	sand.u32 @!p1 $0x80, s14  }
0x32: {  	s16 =	simm.s32 @!p1 $0x100;
	s17 =	simm.s32 @!p1 $0x2400;
	s14 =	sadd.s32 @!p1 s14, s2  }
0x33: {  	v3 =	vimm.s32 @!p1 $0x500;
	[tilespmem:s17], [sflag:$0x1] =	stream.strided.gather @!p1 [spmem:s14], $0x600, s16, s15, $0x38;
	[tilespmem:$0x2AC0] =	vst v63  }
0x34: {  	s14 =	simm.s32 @!p1 $0x1  }
0x35: {  	_ =	swait.ge @!p1 [sflag:s14], $0x600  }
0x36: {  	[sflag:s14] =	ssyncset.done @!p1 $0x0  }
0x37: {  	[sflag:s14] =	ssyncadd.s32 @!p1 $0xFFFFFA00  }
0x38: {  	v3 =	vld.idx.msk @!p1 [tilespmem:v3+s17+$0x0], $0xffff;
	_ =	sdelay $0x4  }
0x39: {  	(v2sf) =	vpush @!p1 v3, $0x0;
	_ =	sdelay $0xe  }
0x3a: {  	s14 =	spop @!p1 (v2sf)  }
0x3b: {  	s14 =	scvt.f32.s32 @!p1 s14;
	_ =	sdelay $0x1  }
0x3c: {  	p0 =	slt.s32 @!p1 s14, $0x1  }
0x3d: {  	p0 =	por p1, p0  }
.Ltmp2:
0x3e: {  	_ = 	snop;
	(pc) =	sbr.rel @p0 .LBB2_11-.Ltmp2, $1  }
0x3f: {  	_ =	sdelay $0x3  }
0x40: {  	s15 =	sshll.u32 @!p1 s13, $0x8  }
0x41: {  	s15 =	ssub.s32 @!p1 s15, s3  }
0x42: {  	s15 =	sshra.s32 @!p1 s15, $0x4  }
0x43: {  	p0 =	sgt.s32 @!p1 s15, $0x0  }
0x44: {  	p2 =	por !p0, p1  }
.Ltmp3:
0x45: {  	p0 =	sgt.s32 s15, $0x4F;
	s15 =	simm.s32 @p2 $0x0;
	(pc) =	sbr.rel .LBB2_3-.Ltmp3, $4  }
0x46: {  	s16 =	smin.u32 @!p1 s15, $0x50  }
0x47: {  	s15 =	ssub.s32 $0x50, s16;
	s16 =	sshll.u32 s16, $0x4  }
0x48: {  	s22 =	simm.s32 $0x0;
	s17 =	sadd.s32 $0x500, s16;
	s18 =	sadd.s32 $0xA00, s16  }
0x49: {  	s19 =	sadd.s32 $0xF00, s16;
	s20 =	sadd.s32 $0x1400, s16;
	s21 =	sadd.s32 $0x1900, s16  }
.LBB2_5:
0x4a: {  	s26 =	smov.u32 s20;
	s23 =	smov.u32 s21  }
.LBB2_9:
0x4b: {  	s24 =	sadd.s32 @p1 $0x10, s26;
	s25 =	smov.u32 s20  }
0x4c: {  	s25 =	smov.u32 @p1 s24  }
0x4d: {  	v4 =	vmax.f32 v4, v9;
	v12 =	vld [tilespmem:s25+$0x0]  }
0x4e: {  	v5 =	vmax.f32 v5, v10;
	v6 =	vmin.f32 v6, v8;
	v7 =	vmin.f32 v7, v11  }
0x4f: {  	v4 =	vsub.f32 v6, v4;
	v5 =	vsub.f32 v7, v5;
	_ =	sdelay $0x1  }
0x50: {  	v4 =	vmax.f32 v4, $0.0e+00;
	v5 =	vmax.f32 v5, $0.0e+00  }
0x51: {  	v4 =	vmul.f32 v5, v4;
	v3 =	vadd.f32 v12, v3;
	_ =	sdelay $0x1  }
0x52: {  	v3 =	vsub.f32 v3, v4  }
0x53: {  	s23 =	sadd.s32 @p1 $0x10, s23;
	s24 =	smov.u32 s21  }
0x54: {  	s24 =	smov.u32 @p1 s23;
	v3 =	vadd.f32 $9.999999710e-10, v3  }
0x55: {  	v63 =	vld [tilespmem:s24+$0x0]  }
0x56: {  	v3 =	vmul.f32 $6.999999880e-01, v3;
	_ =	sdelay $0x1  }
0x57: {  	vm0 =	vgt.f32 v4, v3  }
0x58: {  	v3 =	vsel vm0, $0x1, v0  }
0x59: {  	v3 =	vor.u32 v3, v63  }
0x5a: {  	[tilespmem:s24+$0x0] =	vst v3  }
.LBB2_10:
0x5b: {  	s22 =	sadd.s32 $0x1, s22  }
0x5c: {  	p1 =	sne.s32 s22, s14  }
.Ltmp4:
0x5d: {  	_ = 	snop;
	(pc) =	sbr.rel @!p1 .LBB2_11-.Ltmp4, $1  }
0x5e: {  	_ =	sdelay $0x3  }
.LBB2_3:
.Ltmp5:
0x5f: {  	(pc) =	sbr.rel @p0 .LBB2_10-.Ltmp5, $1  }
0x60: {  	_ =	sdelay $0x3  }
0x61: {  	v3 =	vmov s22  }
0x62: {  	v4 =	vand.u32 $0x7FFFFFFF, v3  }
0x63: {  	v5 =	vadd.s32 $0x100, v4  }
0x64: {  	v9 =	vld [tilespmem:s16+$0x0];
	v6 =	vadd.s32 $0x200, v4  }
0x65: {  	v10 =	vld [tilespmem:s17+$0x0];
	v7 =	vadd.s32 $0x300, v4  }
0x66: {  	v11 =	vld [tilespmem:s19+$0x0];
	v8 =	vadd.s32 $0x400, v4  }
0x67: {  	v4 =	vld.idx.msk [tilespmem:v3+s9+$0x0], $0xffff  }
0x68: {  	p2 =	sne.s32 s15, $0x1;
	v5 =	vld.idx.msk [tilespmem:v5+s9+$0x0], $0xffff  }
.Ltmp6:
0x69: {  	v6 =	vld.idx.msk [tilespmem:v6+s9+$0x0], $0xffff;
	(pc) =	sbr.rel @!p2 .LBB2_5-.Ltmp6, $4  }
0x6a: {  	v7 =	vld.idx.msk [tilespmem:v7+s9+$0x0], $0xffff  }
0x6b: {  	v3 =	vld.idx.msk [tilespmem:v8+s9+$0x0], $0xffff  }
0x6c: {  	v8 =	vld [tilespmem:s18+$0x0]  }
0x6d: {  	s23 =	sadd.s32 $0xFFFFFFFF, s15;
	p1 =	por $0x0, $0x0  }
0x6e: {  	_ =	sdelay $0x1  }
0x6f: {  	v12 =	vld [tilespmem:s20+$0x0];
	v9 =	vmax.f32 v4, v9  }
0x70: {  	v10 =	vmax.f32 v5, v10;
	v11 =	vmin.f32 v7, v11;
	v8 =	vmin.f32 v6, v8  }
0x71: {  	v8 =	vsub.f32 v8, v9;
	v9 =	vsub.f32 v11, v10;
	_ =	sdelay $0x1  }
0x72: {  	v8 =	vmax.f32 v8, $0.0e+00;
	v9 =	vmax.f32 v9, $0.0e+00  }
0x73: {  	v8 =	vmul.f32 v9, v8;
	v9 =	vadd.f32 v12, v3;
	_ =	sdelay $0x1  }
0x74: {  	v9 =	vsub.f32 v9, v8;
	_ =	sdelay $0x1  }
0x75: {  	v9 =	vadd.f32 $9.999999710e-10, v9  }
0x76: {  	v10 =	vld [tilespmem:s21+$0x0]  }
0x77: {  	v9 =	vmul.f32 $6.999999880e-01, v9;
	_ =	sdelay $0x1  }
0x78: {  	vm0 =	vgt.f32 v8, v9  }
0x79: {  	v8 =	vsel vm0, $0x1, v0  }
0x7a: {  	v8 =	vor.u32 v8, v10  }
0x7b: {  	s24 =	sadd.s32 $0x10, s16;
	p2 =	sne.s32 s23, $0x1;
	[tilespmem:s21+$0x0] =	vst v8  }
.Ltmp7:
0x7c: {  	s25 =	sadd.s32 $0x10, s18;
	v9 =	vld [tilespmem:s24+$0x0];
	(pc) =	sbr.rel @!p2 .LBB2_7-.Ltmp7, $4  }
0x7d: {  	s28 =	sadd.s32 $0x10, s17;
	v8 =	vld [tilespmem:s25+$0x0]  }
0x7e: {  	s29 =	sadd.s32 $0x10, s19;
	v10 =	vld [tilespmem:s28+$0x0]  }
0x7f: {  	s30 =	sadd.s32 $0xFFFFFFFF, s23;
	v11 =	vld [tilespmem:s29+$0x0]  }
0x80: {  	p1 =	por $0x1, $0x1;
	s26 =	smov.u32 s20;
	s23 =	smov.u32 s21  }
.LBB2_8:
0x81: {  	p2 =	sne.s32 s30, $0x1;
	_ =	sdelay $0x1  }
0x82: {  	s26 =	sadd.s32 $0x10, s26  }
0x83: {  	v9 =	vmax.f32 v4, v9;
	v12 =	vld [tilespmem:s26+$0x0]  }
0x84: {  	v10 =	vmax.f32 v5, v10;
	v8 =	vmin.f32 v6, v8;
	v11 =	vmin.f32 v7, v11  }
0x85: {  	v8 =	vsub.f32 v8, v9;
	v9 =	vsub.f32 v11, v10;
	_ =	sdelay $0x1  }
0x86: {  	v8 =	vmax.f32 v8, $0.0e+00;
	v9 =	vmax.f32 v9, $0.0e+00  }
0x87: {  	v8 =	vmul.f32 v9, v8;
	v9 =	vadd.f32 v12, v3;
	_ =	sdelay $0x1  }
0x88: {  	v9 =	vsub.f32 v9, v8;
	_ =	sdelay $0x1  }
0x89: {  	s23 =	sadd.s32 $0x10, s23;
	v9 =	vadd.f32 $9.999999710e-10, v9  }
0x8a: {  	v10 =	vld [tilespmem:s23+$0x0]  }
0x8b: {  	v9 =	vmul.f32 $6.999999880e-01, v9;
	_ =	sdelay $0x1  }
0x8c: {  	vm0 =	vgt.f32 v8, v9  }
0x8d: {  	v8 =	vsel vm0, $0x1, v0  }
0x8e: {  	v8 =	vor.u32 v8, v10  }
.Ltmp8:
0x8f: {  	s24 =	sadd.s32 $0x10, s24;
	[tilespmem:s23+$0x0] =	vst v8;
	(pc) =	sbr.rel @p2 .LBB2_8-.Ltmp8, $4  }
0x90: {  	s25 =	sadd.s32 $0x10, s25;
	v9 =	vld [tilespmem:s24+$0x0]  }
0x91: {  	s28 =	sadd.s32 $0x10, s28;
	v8 =	vld [tilespmem:s25+$0x0]  }
0x92: {  	s29 =	sadd.s32 $0x10, s29;
	v10 =	vld [tilespmem:s28+$0x0]  }
0x93: {  	s30 =	sadd.s32 $0xFFFFFFFF, s30;
	v11 =	vld [tilespmem:s29+$0x0]  }
.Ltmp9:
0x94: {  	_ = 	snop;
	(pc) =	sbr.rel .LBB2_9-.Ltmp9, $1  }
0x95: {  	_ =	sdelay $0x3  }
.LBB2_7:
.Ltmp10:
0x96: {  	(pc) =	sbr.rel .LBB2_9-.Ltmp10, $2  }
0x97: {  	_ =	sdelay $0x2  }
0x98: {  	s26 =	smov.u32 s20;
	s23 =	smov.u32 s21  }
.LBB2_11:
0x99: {  	s14 =	smulhi.u32 $0xCCCCCCCD, s13;
	_ =	sdelay $0x1  }
0x9a: {  	s14 =	sshrl.u32 s14, $0x2  }
0x9b: {  	p0 =	sne.s32 s0, s14  }
.Ltmp11:
0x9c: {  	_ = 	snop;
	(pc) =	sbr.rel @p0 .LBB2_18-.Ltmp11, $1  }
0x9d: {  	_ =	sdelay $0x3  }
.Ltmp12:
0x9e: {  	(pc) =	sbr.rel .LBB2_13-.Ltmp12, $4  }
0x9f: {  	s15 =	smul.u32 $0x5, s14  }
0xa0: {  	s16 =	smul.u32 $0x500, s14  }
0xa1: {  	s14 =	simm.s32 $0x0;
	s17 =	simm.s32 $0x0;
	s31 =	ssub.s32 s13, s15  }
0xa2: {  	[smem:$0x0] =	sst s14;
	s16 =	ssub.s32 s4, s16;
	s15 =	sshll.u32 s31, $0x8  }
.LBB2_16:
0xa3: {  	s17 =	sadd.s32 $0x1, s17  }
0xa4: {  	p0 =	sne.s32 s17, $0x100  }
.Ltmp13:
0xa5: {  	_ = 	snop;
	(pc) =	sbr.rel @!p0 .LBB2_17-.Ltmp13, $1  }
0xa6: {  	_ =	sdelay $0x3  }
.LBB2_13:
0xa7: {  	s18 =	sor.u32 s15, s17  }
0xa8: {  	v3 =	vmov s18;
	_ =	sdelay $0x4  }
0xa9: {  	v4 =	vld.idx.msk [tilespmem:v3+s7+$0x0], $0xffff;
	_ =	sdelay $0x4  }
0xaa: {  	(v2sf) =	vpush v4, $0x0;
	_ =	sdelay $0xe  }
0xab: {  	s31 =	spop (v2sf)  }
0xac: {  	p0 =	sne.s32 s31, $0x0  }
.Ltmp14:
0xad: {  	_ = 	snop;
	(pc) =	sbr.rel @p0 .LBB2_16-.Ltmp14, $1  }
0xae: {  	_ =	sdelay $0x3  }
0xaf: {  	_ =	sdelay $0x2  }
0xb0: {  	s23 =	simm.s32 $0x0  }
0xb1: {  	s18 =	simm.s32 $0x500;
	v9 =	vmov s14;
	v4 =	vld.idx.msk [tilespmem:v3+s23+$0x0], $0xffff  }
0xb2: {  	s20 =	sand.u32 $0xFFFFFFF0, s17;
	s19 =	simm.s32 $0xA00;
	v5 =	vld.idx.msk [tilespmem:v3+s18+$0x0], $0xffff;
	v10 =	vadd.s32 $0x100, v9  }
0xb3: {  	s21 =	simm.s32 $0xF00;
	s20 =	sadd.s32 s20, s16;
	v6 =	vld.idx.msk [tilespmem:v3+s19+$0x0], $0xffff;
	v11 =	vadd.s32 $0x200, v9  }
0xb4: {  	s22 =	simm.s32 $0x1400;
	v7 =	vld.idx.msk [tilespmem:v3+s21+$0x0], $0xffff;
	v12 =	vadd.s32 $0x300, v9;
	s24 =	sshll.u32 s20, $0x2  }
0xb5: {  	v8 =	vld.idx.msk [tilespmem:v3+s22+$0x0], $0xffff;
	v13 =	vadd.s32 $0x400, v9;
	s24 =	sshra.s32 s24, $0x2  }
0xb6: {  	[tilespmem:v9+s10+$0x0] =	vst.idx.msk $0x1, v4;
	v9 =	vmov s24  }
0xb7: {  	[tilespmem:v10+s10+$0x0] =	vst.idx.msk $0x1, v5  }
0xb8: {  	[tilespmem:v11+s10+$0x0] =	vst.idx.msk $0x1, v6  }
0xb9: {  	[tilespmem:v12+s10+$0x0] =	vst.idx.msk $0x1, v7  }
0xba: {  	[tilespmem:v13+s10+$0x0] =	vst.idx.msk $0x1, v8  }
0xbb: {  	v10 =	vld.idx.msk [tilespmem:v9+s23+$0x0 ss:$0x1], $0xffff  }
0xbc: {  	v11 =	vld.idx.msk [tilespmem:v9+s19+$0x0 ss:$0x1], $0xffff  }
0xbd: {  	v12 =	vld.idx.msk [tilespmem:v9+s18+$0x0 ss:$0x1], $0xffff  }
0xbe: {  	v13 =	vld.idx.msk [tilespmem:v9+s21+$0x0 ss:$0x1], $0xffff;
	_ =	sdelay $0x3  }
0xbf: {  	v14 =	vld.idx.msk [tilespmem:v9+s22+$0x0 ss:$0x1], $0xffff;
	v10 =	vmax.f32 v4, v10  }
0xc0: {  	v12 =	vmax.f32 v5, v12;
	v11 =	vmin.f32 v6, v11;
	v13 =	vmin.f32 v7, v13  }
0xc1: {  	v10 =	vsub.f32 v11, v10;
	v11 =	vsub.f32 v13, v12;
	_ =	sdelay $0x1  }
0xc2: {  	v10 =	vmax.f32 v10, $0.0e+00;
	v11 =	vmax.f32 v11, $0.0e+00  }
0xc3: {  	v10 =	vmul.f32 v11, v10;
	v11 =	vadd.f32 v14, v8;
	_ =	sdelay $0x1  }
0xc4: {  	v11 =	vsub.f32 v11, v10;
	_ =	sdelay $0x1  }
0xc5: {  	s31 =	sshrl.u32 s17, $0x4;
	v11 =	vadd.f32 $9.999999710e-10, v11  }
0xc6: {  	s24 =	sadd.s32 $0xFFFFFFFF, s31;
	s23 =	simm.s32 $0x1900  }
0xc7: {  	s24 =	sadd.s32 $0x1, s24;
	v62 =	vld.idx.msk [tilespmem:v9+s23+$0x0 ss:$0x1], $0xffff;
	v11 =	vmul.f32 $6.999999880e-01, v11  }
0xc8: {  	v63 =	vor.u32 s20, v1;
	p0 =	slt.u32 s24, $0xF  }
.Ltmp15:
0xc9: {  	vm1 =	vgt.u32 v63, v3;
	vm0 =	vgt.f32 v10, v11;
	(pc) =	sbr.rel @!p0 .LBB2_16-.Ltmp15, $4  }
0xca: {  	vm0 =	vmand vm1, vm0  }
0xcb: {  	v10 =	vsel vm0, $0x1, v0  }
0xcc: {  	s14 =	sadd.s32 $0x1, s14;
	v10 =	vor.u32 v10, v62  }
0xcd: {  	s25 =	simm.s32 $0x10;
	[smem:$0x0] =	sst s14;
	[tilespmem:v9+s23+$0x0 ss:$0x1] =	vst.idx.msk $0xffff, v10  }
.LBB2_15:
0xce: {  	v10 =	vld.idx.msk [tilespmem:v9+s25+$0x0 ss:$0x1], $0xffff;
	s19 =	sadd.s32 $0x10, s19  }
0xcf: {  	s18 =	sadd.s32 $0x10, s18;
	v11 =	vld.idx.msk [tilespmem:v9+s19+$0x0 ss:$0x1], $0xffff  }
0xd0: {  	s21 =	sadd.s32 $0x10, s21;
	v12 =	vld.idx.msk [tilespmem:v9+s18+$0x0 ss:$0x1], $0xffff  }
0xd1: {  	s24 =	sadd.s32 $0x1, s24;
	v13 =	vld.idx.msk [tilespmem:v9+s21+$0x0 ss:$0x1], $0xffff  }
0xd2: {  	p0 =	slt.u32 s24, $0xF;
	_ =	sdelay $0x1  }
0xd3: {  	s22 =	sadd.s32 $0x10, s22  }
0xd4: {  	v14 =	vld.idx.msk [tilespmem:v9+s22+$0x0 ss:$0x1], $0xffff  }
0xd5: {  	v10 =	vmax.f32 v4, v10  }
0xd6: {  	v11 =	vmin.f32 v6, v11;
	v12 =	vmax.f32 v5, v12;
	v13 =	vmin.f32 v7, v13  }
0xd7: {  	v10 =	vsub.f32 v11, v10;
	v11 =	vsub.f32 v13, v12;
	_ =	sdelay $0x1  }
0xd8: {  	v10 =	vmax.f32 v10, $0.0e+00;
	v11 =	vmax.f32 v11, $0.0e+00  }
0xd9: {  	v10 =	vmul.f32 v11, v10;
	v11 =	vadd.f32 v14, v8;
	_ =	sdelay $0x1  }
0xda: {  	v11 =	vsub.f32 v11, v10;
	_ =	sdelay $0x1  }
0xdb: {  	s23 =	sadd.s32 $0x10, s23;
	v11 =	vadd.f32 $9.999999710e-10, v11  }
0xdc: {  	v12 =	vld.idx.msk [tilespmem:v9+s23+$0x0 ss:$0x1], $0xffff  }
0xdd: {  	s20 =	sadd.s32 $0x10, s20;
	v11 =	vmul.f32 $6.999999880e-01, v11  }
0xde: {  	v13 =	vor.u32 s20, v1  }
.Ltmp16:
0xdf: {  	vm1 =	vgt.u32 v13, v3;
	vm0 =	vgt.f32 v10, v11;
	(pc) =	sbr.rel @p0 .LBB2_15-.Ltmp16, $4  }
0xe0: {  	vm0 =	vmand vm1, vm0  }
0xe1: {  	v10 =	vsel vm0, $0x1, v0  }
0xe2: {  	v10 =	vor.u32 v10, v12  }
0xe3: {  	s25 =	sadd.s32 $0x10, s25;
	[tilespmem:v9+s23+$0x0 ss:$0x1] =	vst.idx.msk $0xffff, v10  }
.Ltmp17:
0xe4: {  	_ = 	snop;
	(pc) =	sbr.rel .LBB2_16-.Ltmp17, $1  }
0xe5: {  	_ =	sdelay $0x3  }
.LBB2_19:
0xe6: {  	s2 =	sadd.s32 s8, s5  }
0xe7: {  	s3 =	simm.s32 $0x0;
	s4 =	simm.s32 $0x1900;
	s31 =	simm.s32 $0x1  }
0xe8: {  	[hbm4b:s2+s3] =	stream.linear.scatter [tilespmem:s4], [sflag:$0x1], $0x500, $0x38;
	[tilespmem:$0x2AC0] =	vst v63  }
0xe9: {  	_ =	swait.ge [sflag:s31], $0x500  }
0xea: {  	[sflag:s31] =	ssyncset.done $0x0  }
0xeb: {  	[sflag:s31] =	ssyncadd.s32 $0xFFFFFB00  }
0xec: {  	_ =	sfence.sel $0x180000  }
0xed: {  	[bflag:$0x0] =	sbarrier.arrive $0xFFFF  }
0xee: {  	p0 =	sne.s32 s0, $0x0;
	_ =	strace $0x9000004A  }
0xef: {  	s0 =	sadd.s32 @!p0 $0x100000, s1;
	[bflag:$0x2] =	sbarrier.arrive $0xFFFF  }
0xf0: {  	[sflag:s0] =	ssyncadd.tile.s32 @!p0 $0x1;
	_ =	shalt  }
.Lfunc_end2:
_tile_overlayer_lowered:
.L_overlay_start_2:
0xf1: {  	(tag) =	ssettag $0x2  }
0xf2: {  	s0 =	rddreg [dreg:$0x0];
	s2 =	stileid.u32  }
0xf3: {  	s1 =	rddreg [dreg:$0x1];
	p0 =	sne.s32 s2, $0x0  }
0xf4: {  	s3 =	rddreg [dreg:$0x2];
	[bflag:$0x3] =	sbarrier.arrive $0xFFFF;
	s2 =	simm.s32 @!p0 $0x1C01  }
0xf5: {  	[timem:s3], [sflag:s2] =	dma.local @!p0 [hbm:s0], s1  }
0xf6: {  	s0 =	simm.s32 @!p0 $0x1  }
0xf7: {  	_ =	swait.ge @!p0 [sflag:s0], s1  }
0xf8: {  	s1 =	ssub.s32 @!p0 $0x0, s1;
	[sflag:s0] =	ssyncset.done @!p0 $0x0  }
0xf9: {  	[sflag:s0] =	ssyncadd.s32 @!p0 s1  }
0xfa: {  	[bflag:$0x3] =	sbarrier.arrive $0xFFFF  }
0xfb: {  	_ =	shalt  }

</sc_bundles>
